<compile_context>
chip_gen: v7x
topology: tpu7x:2x2x1
jax: 0.10.2.dev20260603
libtpu: 0.0.44.dev20260713+nightly
codegen_flags: <defaults>
</compile_context>

<pallas_src>
import functools

import jax
import jax.numpy as jnp
from jax import lax
from jax.experimental import pallas as pl
from jax.experimental.pallas import tpu as pltpu
from jax.experimental.pallas import tpu_sc as plsc

D = 128
NC, NS = 2, 16
NW = NC * NS
CHUNK = 128
UNIT = NW * CHUNK


def _sc_gather_piece(uids3, iids3, utab, itab, units):
    kpw = len(units)
    rows = NW * kpw * CHUNK
    mesh = plsc.VectorSubcoreMesh(
        core_axis_name="c", subcore_axis_name="s",
        num_cores=NC, num_subcores=NS)

    @functools.partial(
        pl.kernel,
        out_type=jax.ShapeDtypeStruct((2, rows, D), jnp.float32),
        mesh=mesh,
        scratch_types=(
            [pltpu.VMEM((kpw, CHUNK), jnp.int32) for _ in range(2)]
            + [pltpu.VMEM((CHUNK, D), jnp.float32) for _ in range(2 * kpw)]
            + [pltpu.SemaphoreType.DMA for _ in range(6 * kpw)]
        ),
    )
    def k(uid_hbm, iid_hbm, utab_hbm, itab_hbm, out_hbm, *rest):
        idx = rest[:2]
        bufs = rest[2:2 + 2 * kpw]
        gsem = rest[2 + 2 * kpw:2 + 4 * kpw]
        wsem = rest[2 + 4 * kpw:2 + 6 * kpw]
        isem = rest[2 + 6 * kpw:]
        wid = lax.axis_index("s") * NC + lax.axis_index("c")
        stages = []
        for j, u in enumerate(units):
            stages.append(pltpu.async_copy(
                uid_hbm.at[u, wid], idx[0].at[j], isem[2 * j]))
            stages.append(pltpu.async_copy(
                iid_hbm.at[u, wid], idx[1].at[j], isem[2 * j + 1]))
        for s in stages:
            s.wait()
        gathers = []
        for p, tab in enumerate((utab_hbm, itab_hbm)):
            for j in range(kpw):
                n = p * kpw + j
                gathers.append(pltpu.async_copy(
                    tab.at[idx[p].at[j]], bufs[n], gsem[n]))
        writes = []
        for p in range(2):
            for j in range(kpw):
                n = p * kpw + j
                gathers[n].wait()
                writes.append(pltpu.async_copy(
                    bufs[n],
                    out_hbm.at[p, pl.ds((j * NW + wid) * CHUNK, CHUNK)],
                    wsem[n]))
        for w in writes:
            w.wait()

    return k(uids3, iids3, utab, itab)


def _tc_project_piece(X, Wu, bu, Wi, bi, row0, B, prev=None):
    rows = X.shape[1]
    BM = 2048
    nblk = rows // BM
    blk0 = row0 // BM
    dn = (((1,), (1,)), ((), ()))

    def body(x_ref, wu_ref, bu_ref, wi_ref, bi_ref, *rest):
        ou_ref, oi_ref = rest[-2], rest[-1]
        ou_ref[...] = lax.dot_general(
            x_ref[0], wu_ref[...], dn,
            preferred_element_type=jnp.float32) + bu_ref[...]
        oi_ref[...] = lax.dot_general(
            x_ref[1], wi_ref[...], dn,
            preferred_element_type=jnp.float32) + bi_ref[...]

    in_specs = [
        pl.BlockSpec((2, BM, D), lambda i: (0, i, 0)),
        pl.BlockSpec((D, D), lambda i: (0, 0)),
        pl.BlockSpec((1, D), lambda i: (0, 0)),
        pl.BlockSpec((D, D), lambda i: (0, 0)),
        pl.BlockSpec((1, D), lambda i: (0, 0)),
    ]
    inputs = [X, Wu, bu.reshape(1, D), Wi, bi.reshape(1, D)]
    aliases = {}
    if prev is not None:
        in_specs += [
            pl.BlockSpec(memory_space=pltpu.MemorySpace.HBM),
            pl.BlockSpec(memory_space=pltpu.MemorySpace.HBM),
        ]
        inputs += [prev[0], prev[1]]
        aliases = {5: 0, 6: 1}

    return pl.pallas_call(
        body,
        grid=(nblk,),
        in_specs=in_specs,
        out_specs=[
            pl.BlockSpec((BM, D), lambda i, b0=blk0: (b0 + i, 0)),
            pl.BlockSpec((BM, D), lambda i, b0=blk0: (b0 + i, 0)),
        ],
        out_shape=[
            jax.ShapeDtypeStruct((B, D), jnp.float32),
            jax.ShapeDtypeStruct((B, D), jnp.float32),
        ],
        input_output_aliases=aliases,
    )(*inputs)


def kernel(user_ids, item_ids, user_embedding, item_embedding,
           W_user, b_user, W_item, b_item):
    B = user_ids.shape[0]
    nunits = B // UNIT
    uids3 = user_ids.astype(jnp.int32).reshape(nunits, NW, CHUNK)
    iids3 = item_ids.astype(jnp.int32).reshape(nunits, NW, CHUNK)
    units0 = tuple(range(nunits - 1))
    units1 = (nunits - 1,)

    X0 = _sc_gather_piece(uids3, iids3, user_embedding, item_embedding,
                          units0)
    X1 = _sc_gather_piece(uids3, iids3, user_embedding, item_embedding,
                          units1)
    out0 = _tc_project_piece(X0, W_user, b_user, W_item, b_item, 0, B)
    ou, oi = _tc_project_piece(X1, W_user, b_user, W_item, b_item,
                               len(units0) * UNIT, B, prev=out0)
    return (ou, oi)

# --- scband reference (transcript-rebuilt; emitter-appended) ---
"""Pipeline reference for scband-enhanced-svd-87866440942273 (READ-ONLY COPY).

The authoritative reference and input builder live on the scoring server;
editing this copy changes nothing except your own understanding.
"""

import jax, jax.numpy as jnp
import numpy as np

N_USERS = 100000
N_ITEMS = 100000
D = 128
B = 16384


def setup_inputs(seed: int = 0) -> dict:
    key = jax.random.key(seed)
    ks = jax.random.split(key, 8)
    user_ids = jax.random.randint(ks[0], (B,), 0, N_USERS)
    item_ids = jax.random.randint(ks[1], (B,), 0, N_ITEMS)
    # SVD-initialized embeddings are just learned float parameters at run time
    user_embedding = jax.random.normal(ks[2], (N_USERS, D), dtype=jnp.float32) * 0.02
    item_embedding = jax.random.normal(ks[3], (N_ITEMS, D), dtype=jnp.float32) * 0.02
    # nn.Linear(D, D) params: weight [D, D], bias [D]
    W_user = jax.random.normal(ks[4], (D, D), dtype=jnp.float32) * (1.0 / np.sqrt(D))
    b_user = jnp.zeros((D,), dtype=jnp.float32)
    W_item = jax.random.normal(ks[5], (D, D), dtype=jnp.float32) * (1.0 / np.sqrt(D))
    b_item = jnp.zeros((D,), dtype=jnp.float32)
    return {
        "user_ids": user_ids,
        "item_ids": item_ids,
        "user_embedding": user_embedding,
        "item_embedding": item_embedding,
        "W_user": W_user,
        "b_user": b_user,
        "W_item": W_item,
        "b_item": b_item,
    }


def reference(user_ids, item_ids, user_embedding, item_embedding, W_user, b_user, W_item, b_item):
    # gather (embedding lookup)
    user_emb = jnp.take(user_embedding, user_ids, axis=0)
    item_emb = jnp.take(item_embedding, item_ids, axis=0)
    # linear projections (torch Linear: x @ W.T + b)
    user_out = user_emb @ W_user.T + b_user
    item_out = item_emb @ W_item.T + b_item
    return (user_out, item_out)

if __name__ == "__main__":
    import jax
    _d = setup_inputs()
    print(jax.jit(kernel)(*tuple(_d.values())))

</pallas_src>

<mosaic_0001>
#map = affine_map<(d0, d1) -> (0, 0, 0)>
#map1 = affine_map<(d0, d1) -> (0, 0)>
module attributes {stable_mosaic.version = 14 : i64} {
  func.func @k(%arg0: i32, %arg1: i32, %arg2: memref<4x32x128xi32, #tpu.memory_space<hbm>>, %arg3: memref<4x32x128xi32, #tpu.memory_space<hbm>>, %arg4: memref<100000x128xf32, #tpu.memory_space<hbm>>, %arg5: memref<100000x128xf32, #tpu.memory_space<hbm>>, %arg6: memref<2x12288x128xf32, #tpu.memory_space<hbm>>, %arg7: memref<3x128xi32, #tpu.memory_space<vmem>>, %arg8: memref<3x128xi32, #tpu.memory_space<vmem>>, %arg9: memref<128x128xf32, #tpu.memory_space<vmem>>, %arg10: memref<128x128xf32, #tpu.memory_space<vmem>>, %arg11: memref<128x128xf32, #tpu.memory_space<vmem>>, %arg12: memref<128x128xf32, #tpu.memory_space<vmem>>, %arg13: memref<128x128xf32, #tpu.memory_space<vmem>>, %arg14: memref<128x128xf32, #tpu.memory_space<vmem>>, %arg15: memref<!tpu.dma_semaphore, #tpu.memory_space<semaphore_mem>>, %arg16: memref<!tpu.dma_semaphore, #tpu.memory_space<semaphore_mem>>, %arg17: memref<!tpu.dma_semaphore, #tpu.memory_space<semaphore_mem>>, %arg18: memref<!tpu.dma_semaphore, #tpu.memory_space<semaphore_mem>>, %arg19: memref<!tpu.dma_semaphore, #tpu.memory_space<semaphore_mem>>, %arg20: memref<!tpu.dma_semaphore, #tpu.memory_space<semaphore_mem>>, %arg21: memref<!tpu.dma_semaphore, #tpu.memory_space<semaphore_mem>>, %arg22: memref<!tpu.dma_semaphore, #tpu.memory_space<semaphore_mem>>, %arg23: memref<!tpu.dma_semaphore, #tpu.memory_space<semaphore_mem>>, %arg24: memref<!tpu.dma_semaphore, #tpu.memory_space<semaphore_mem>>, %arg25: memref<!tpu.dma_semaphore, #tpu.memory_space<semaphore_mem>>, %arg26: memref<!tpu.dma_semaphore, #tpu.memory_space<semaphore_mem>>, %arg27: memref<!tpu.dma_semaphore, #tpu.memory_space<semaphore_mem>>, %arg28: memref<!tpu.dma_semaphore, #tpu.memory_space<semaphore_mem>>, %arg29: memref<!tpu.dma_semaphore, #tpu.memory_space<semaphore_mem>>, %arg30: memref<!tpu.dma_semaphore, #tpu.memory_space<semaphore_mem>>, %arg31: memref<!tpu.dma_semaphore, #tpu.memory_space<semaphore_mem>>, %arg32: memref<!tpu.dma_semaphore, #tpu.memory_space<semaphore_mem>>) attributes {dimension_semantics = [#tpu.dimension_semantics<core_parallel>, #tpu.dimension_semantics<subcore_parallel>], iteration_bounds = array<i64: 2, 16>, scalar_prefetch = 0 : i64, scratch_operands = 26 : i64, tpu.core_type = #tpu.core_type<sc_vector_subcore>, window_params = [{transform_indices = #map}, {transform_indices = #map}, {transform_indices = #map1}, {transform_indices = #map1}, {transform_indices = #map}]} {
    %mul3A = arith.constant 2 : i32
    %mul3A_0 = arith.muli %arg1, %mul3A : i32
    %add3A = arith.addi %mul3A_0, %arg0 : i32
    %dma_start3A = arith.constant 0 : i32
    %dma_start3A_1 = arith.constant 0 : i32
    %dma_start3A_2 = arith.constant 0 : i32
    %dma_start3A_3 = tpu.memref_slice %arg7[%dma_start3A_1, %dma_start3A_2] : memref<3x128xi32, #tpu.memory_space<vmem>> -> memref<1x128xi32, #tpu.memory_space<vmem>>
    %dma_start3A_4 = tpu.memref_squeeze %dma_start3A_3 : memref<1x128xi32, #tpu.memory_space<vmem>> -> memref<128xi32, #tpu.memory_space<vmem>>
    %dma_start3A_5 = arith.constant 0 : i32
    %dma_start3A_6 = tpu.memref_slice %arg2[%dma_start3A, %add3A, %dma_start3A_5] : memref<4x32x128xi32, #tpu.memory_space<hbm>> -> memref<1x1x128xi32, #tpu.memory_space<hbm>>
    %dma_start3A_7 = tpu.memref_squeeze %dma_start3A_6 : memref<1x1x128xi32, #tpu.memory_space<hbm>> -> memref<128xi32, #tpu.memory_space<hbm>>
    %dma_start3A_8 = arith.constant 0 : i32
    %dma_start3A_9 = tpu.memref_slice %arg7[%dma_start3A_1, %dma_start3A_8] : memref<3x128xi32, #tpu.memory_space<vmem>> -> memref<1x128xi32, #tpu.memory_space<vmem>>
    %dma_start3A_10 = tpu.memref_squeeze %dma_start3A_9 : memref<1x128xi32, #tpu.memory_space<vmem>> -> memref<128xi32, #tpu.memory_space<vmem>>
    %dma_start3A_11 = arith.constant 0 : i32
    %dma_start3A_12 = tpu.memref_slice %arg2[%dma_start3A, %add3A, %dma_start3A_11] : memref<4x32x128xi32, #tpu.memory_space<hbm>> -> memref<1x1x128xi32, #tpu.memory_space<hbm>>
    %dma_start3A_13 = tpu.memref_squeeze %dma_start3A_12 : memref<1x1x128xi32, #tpu.memory_space<hbm>> -> memref<128xi32, #tpu.memory_space<hbm>>
    tpu.enqueue_dma source(%dma_start3A_13 : memref<128xi32, #tpu.memory_space<hbm>>) target(%dma_start3A_10 : memref<128xi32, #tpu.memory_space<vmem>>) target_semaphore(%arg27 : memref<!tpu.dma_semaphore, #tpu.memory_space<semaphore_mem>>)
    %dma_start3A_14 = arith.constant 0 : i32
    %dma_start3A_15 = arith.constant 0 : i32
    %dma_start3A_16 = arith.constant 0 : i32
    %dma_start3A_17 = tpu.memref_slice %arg8[%dma_start3A_15, %dma_start3A_16] : memref<3x128xi32, #tpu.memory_space<vmem>> -> memref<1x128xi32, #tpu.memory_space<vmem>>
    %dma_start3A_18 = tpu.memref_squeeze %dma_start3A_17 : memref<1x128xi32, #tpu.memory_space<vmem>> -> memref<128xi32, #tpu.memory_space<vmem>>
    %dma_start3A_19 = arith.constant 0 : i32
    %dma_start3A_20 = tpu.memref_slice %arg3[%dma_start3A_14, %add3A, %dma_start3A_19] : memref<4x32x128xi32, #tpu.memory_space<hbm>> -> memref<1x1x128xi32, #tpu.memory_space<hbm>>
    %dma_start3A_21 = tpu.memref_squeeze %dma_start3A_20 : memref<1x1x128xi32, #tpu.memory_space<hbm>> -> memref<128xi32, #tpu.memory_space<hbm>>
    %dma_start3A_22 = arith.constant 0 : i32
    %dma_start3A_23 = tpu.memref_slice %arg8[%dma_start3A_15, %dma_start3A_22] : memref<3x128xi32, #tpu.memory_space<vmem>> -> memref<1x128xi32, #tpu.memory_space<vmem>>
    %dma_start3A_24 = tpu.memref_squeeze %dma_start3A_23 : memref<1x128xi32, #tpu.memory_space<vmem>> -> memref<128xi32, #tpu.memory_space<vmem>>
    %dma_start3A_25 = arith.constant 0 : i32
    %dma_start3A_26 = tpu.memref_slice %arg3[%dma_start3A_14, %add3A, %dma_start3A_25] : memref<4x32x128xi32, #tpu.memory_space<hbm>> -> memref<1x1x128xi32, #tpu.memory_space<hbm>>
    %dma_start3A_27 = tpu.memref_squeeze %dma_start3A_26 : memref<1x1x128xi32, #tpu.memory_space<hbm>> -> memref<128xi32, #tpu.memory_space<hbm>>
    tpu.enqueue_dma source(%dma_start3A_27 : memref<128xi32, #tpu.memory_space<hbm>>) target(%dma_start3A_24 : memref<128xi32, #tpu.memory_space<vmem>>) target_semaphore(%arg28 : memref<!tpu.dma_semaphore, #tpu.memory_space<semaphore_mem>>)
    %dma_start3A_28 = arith.constant 1 : i32
    %dma_start3A_29 = arith.constant 1 : i32
    %dma_start3A_30 = arith.constant 0 : i32
    %dma_start3A_31 = tpu.memref_slice %arg7[%dma_start3A_29, %dma_start3A_30] : memref<3x128xi32, #tpu.memory_space<vmem>> -> memref<1x128xi32, #tpu.memory_space<vmem>>
    %dma_start3A_32 = tpu.memref_squeeze %dma_start3A_31 : memref<1x128xi32, #tpu.memory_space<vmem>> -> memref<128xi32, #tpu.memory_space<vmem>>
    %dma_start3A_33 = arith.constant 0 : i32
    %dma_start3A_34 = tpu.memref_slice %arg2[%dma_start3A_28, %add3A, %dma_start3A_33] : memref<4x32x128xi32, #tpu.memory_space<hbm>> -> memref<1x1x128xi32, #tpu.memory_space<hbm>>
    %dma_start3A_35 = tpu.memref_squeeze %dma_start3A_34 : memref<1x1x128xi32, #tpu.memory_space<hbm>> -> memref<128xi32, #tpu.memory_space<hbm>>
    %dma_start3A_36 = arith.constant 0 : i32
    %dma_start3A_37 = tpu.memref_slice %arg7[%dma_start3A_29, %dma_start3A_36] : memref<3x128xi32, #tpu.memory_space<vmem>> -> memref<1x128xi32, #tpu.memory_space<vmem>>
    %dma_start3A_38 = tpu.memref_squeeze %dma_start3A_37 : memref<1x128xi32, #tpu.memory_space<vmem>> -> memref<128xi32, #tpu.memory_space<vmem>>
    %dma_start3A_39 = arith.constant 0 : i32
    %dma_start3A_40 = tpu.memref_slice %arg2[%dma_start3A_28, %add3A, %dma_start3A_39] : memref<4x32x128xi32, #tpu.memory_space<hbm>> -> memref<1x1x128xi32, #tpu.memory_space<hbm>>
    %dma_start3A_41 = tpu.memref_squeeze %dma_start3A_40 : memref<1x1x128xi32, #tpu.memory_space<hbm>> -> memref<128xi32, #tpu.memory_space<hbm>>
    tpu.enqueue_dma source(%dma_start3A_41 : memref<128xi32, #tpu.memory_space<hbm>>) target(%dma_start3A_38 : memref<128xi32, #tpu.memory_space<vmem>>) target_semaphore(%arg29 : memref<!tpu.dma_semaphore, #tpu.memory_space<semaphore_mem>>)
    %dma_start3A_42 = arith.constant 1 : i32
    %dma_start3A_43 = arith.constant 1 : i32
    %dma_start3A_44 = arith.constant 0 : i32
    %dma_start3A_45 = tpu.memref_slice %arg8[%dma_start3A_43, %dma_start3A_44] : memref<3x128xi32, #tpu.memory_space<vmem>> -> memref<1x128xi32, #tpu.memory_space<vmem>>
    %dma_start3A_46 = tpu.memref_squeeze %dma_start3A_45 : memref<1x128xi32, #tpu.memory_space<vmem>> -> memref<128xi32, #tpu.memory_space<vmem>>
    %dma_start3A_47 = arith.constant 0 : i32
    %dma_start3A_48 = tpu.memref_slice %arg3[%dma_start3A_42, %add3A, %dma_start3A_47] : memref<4x32x128xi32, #tpu.memory_space<hbm>> -> memref<1x1x128xi32, #tpu.memory_space<hbm>>
    %dma_start3A_49 = tpu.memref_squeeze %dma_start3A_48 : memref<1x1x128xi32, #tpu.memory_space<hbm>> -> memref<128xi32, #tpu.memory_space<hbm>>
    %dma_start3A_50 = arith.constant 0 : i32
    %dma_start3A_51 = tpu.memref_slice %arg8[%dma_start3A_43, %dma_start3A_50] : memref<3x128xi32, #tpu.memory_space<vmem>> -> memref<1x128xi32, #tpu.memory_space<vmem>>
    %dma_start3A_52 = tpu.memref_squeeze %dma_start3A_51 : memref<1x128xi32, #tpu.memory_space<vmem>> -> memref<128xi32, #tpu.memory_space<vmem>>
    %dma_start3A_53 = arith.constant 0 : i32
    %dma_start3A_54 = tpu.memref_slice %arg3[%dma_start3A_42, %add3A, %dma_start3A_53] : memref<4x32x128xi32, #tpu.memory_space<hbm>> -> memref<1x1x128xi32, #tpu.memory_space<hbm>>
    %dma_start3A_55 = tpu.memref_squeeze %dma_start3A_54 : memref<1x1x128xi32, #tpu.memory_space<hbm>> -> memref<128xi32, #tpu.memory_space<hbm>>
    tpu.enqueue_dma source(%dma_start3A_55 : memref<128xi32, #tpu.memory_space<hbm>>) target(%dma_start3A_52 : memref<128xi32, #tpu.memory_space<vmem>>) target_semaphore(%arg30 : memref<!tpu.dma_semaphore, #tpu.memory_space<semaphore_mem>>)
    %dma_start3A_56 = arith.constant 2 : i32
    %dma_start3A_57 = arith.constant 2 : i32
    %dma_start3A_58 = arith.constant 0 : i32
    %dma_start3A_59 = tpu.memref_slice %arg7[%dma_start3A_57, %dma_start3A_58] : memref<3x128xi32, #tpu.memory_space<vmem>> -> memref<1x128xi32, #tpu.memory_space<vmem>>
    %dma_start3A_60 = tpu.memref_squeeze %dma_start3A_59 : memref<1x128xi32, #tpu.memory_space<vmem>> -> memref<128xi32, #tpu.memory_space<vmem>>
    %dma_start3A_61 = arith.constant 0 : i32
    %dma_start3A_62 = tpu.memref_slice %arg2[%dma_start3A_56, %add3A, %dma_start3A_61] : memref<4x32x128xi32, #tpu.memory_space<hbm>> -> memref<1x1x128xi32, #tpu.memory_space<hbm>>
    %dma_start3A_63 = tpu.memref_squeeze %dma_start3A_62 : memref<1x1x128xi32, #tpu.memory_space<hbm>> -> memref<128xi32, #tpu.memory_space<hbm>>
    %dma_start3A_64 = arith.constant 0 : i32
    %dma_start3A_65 = tpu.memref_slice %arg7[%dma_start3A_57, %dma_start3A_64] : memref<3x128xi32, #tpu.memory_space<vmem>> -> memref<1x128xi32, #tpu.memory_space<vmem>>
    %dma_start3A_66 = tpu.memref_squeeze %dma_start3A_65 : memref<1x128xi32, #tpu.memory_space<vmem>> -> memref<128xi32, #tpu.memory_space<vmem>>
    %dma_start3A_67 = arith.constant 0 : i32
    %dma_start3A_68 = tpu.memref_slice %arg2[%dma_start3A_56, %add3A, %dma_start3A_67] : memref<4x32x128xi32, #tpu.memory_space<hbm>> -> memref<1x1x128xi32, #tpu.memory_space<hbm>>
    %dma_start3A_69 = tpu.memref_squeeze %dma_start3A_68 : memref<1x1x128xi32, #tpu.memory_space<hbm>> -> memref<128xi32, #tpu.memory_space<hbm>>
    tpu.enqueue_dma source(%dma_start3A_69 : memref<128xi32, #tpu.memory_space<hbm>>) target(%dma_start3A_66 : memref<128xi32, #tpu.memory_space<vmem>>) target_semaphore(%arg31 : memref<!tpu.dma_semaphore, #tpu.memory_space<semaphore_mem>>)
    %dma_start3A_70 = arith.constant 2 : i32
    %dma_start3A_71 = arith.constant 2 : i32
    %dma_start3A_72 = arith.constant 0 : i32
    %dma_start3A_73 = tpu.memref_slice %arg8[%dma_start3A_71, %dma_start3A_72] : memref<3x128xi32, #tpu.memory_space<vmem>> -> memref<1x128xi32, #tpu.memory_space<vmem>>
    %dma_start3A_74 = tpu.memref_squeeze %dma_start3A_73 : memref<1x128xi32, #tpu.memory_space<vmem>> -> memref<128xi32, #tpu.memory_space<vmem>>
    %dma_start3A_75 = arith.constant 0 : i32
    %dma_start3A_76 = tpu.memref_slice %arg3[%dma_start3A_70, %add3A, %dma_start3A_75] : memref<4x32x128xi32, #tpu.memory_space<hbm>> -> memref<1x1x128xi32, #tpu.memory_space<hbm>>
    %dma_start3A_77 = tpu.memref_squeeze %dma_start3A_76 : memref<1x1x128xi32, #tpu.memory_space<hbm>> -> memref<128xi32, #tpu.memory_space<hbm>>
    %dma_start3A_78 = arith.constant 0 : i32
    %dma_start3A_79 = tpu.memref_slice %arg8[%dma_start3A_71, %dma_start3A_78] : memref<3x128xi32, #tpu.memory_space<vmem>> -> memref<1x128xi32, #tpu.memory_space<vmem>>
    %dma_start3A_80 = tpu.memref_squeeze %dma_start3A_79 : memref<1x128xi32, #tpu.memory_space<vmem>> -> memref<128xi32, #tpu.memory_space<vmem>>
    %dma_start3A_81 = arith.constant 0 : i32
    %dma_start3A_82 = tpu.memref_slice %arg3[%dma_start3A_70, %add3A, %dma_start3A_81] : memref<4x32x128xi32, #tpu.memory_space<hbm>> -> memref<1x1x128xi32, #tpu.memory_space<hbm>>
    %dma_start3A_83 = tpu.memref_squeeze %dma_start3A_82 : memref<1x1x128xi32, #tpu.memory_space<hbm>> -> memref<128xi32, #tpu.memory_space<hbm>>
    tpu.enqueue_dma source(%dma_start3A_83 : memref<128xi32, #tpu.memory_space<hbm>>) target(%dma_start3A_80 : memref<128xi32, #tpu.memory_space<vmem>>) target_semaphore(%arg32 : memref<!tpu.dma_semaphore, #tpu.memory_space<semaphore_mem>>)
    %dma_wait3A = arith.constant 0 : i32
    %dma_wait3A_84 = arith.constant 0 : i32
    %dma_wait3A_85 = arith.constant 0 : i32
    %dma_wait3A_86 = tpu.memref_slice %arg7[%dma_wait3A_84, %dma_wait3A_85] : memref<3x128xi32, #tpu.memory_space<vmem>> -> memref<1x128xi32, #tpu.memory_space<vmem>>
    %dma_wait3A_87 = tpu.memref_squeeze %dma_wait3A_86 : memref<1x128xi32, #tpu.memory_space<vmem>> -> memref<128xi32, #tpu.memory_space<vmem>>
    %dma_wait3A_88 = arith.constant 0 : i32
    %dma_wait3A_89 = tpu.memref_slice %arg2[%dma_wait3A, %add3A, %dma_wait3A_88] : memref<4x32x128xi32, #tpu.memory_space<hbm>> -> memref<1x1x128xi32, #tpu.memory_space<hbm>>
    %dma_wait3A_90 = tpu.memref_squeeze %dma_wait3A_89 : memref<1x1x128xi32, #tpu.memory_space<hbm>> -> memref<128xi32, #tpu.memory_space<hbm>>
    %dma_wait3A_91 = arith.constant 0 : i32
    %dma_wait3A_92 = tpu.memref_slice %arg7[%dma_wait3A_84, %dma_wait3A_91] : memref<3x128xi32, #tpu.memory_space<vmem>> -> memref<1x128xi32, #tpu.memory_space<vmem>>
    %dma_wait3A_93 = tpu.memref_squeeze %dma_wait3A_92 : memref<1x128xi32, #tpu.memory_space<vmem>> -> memref<128xi32, #tpu.memory_space<vmem>>
    %dma_wait3A_94 = arith.constant 0 : i32
    %dma_wait3A_95 = tpu.memref_slice %arg2[%dma_wait3A, %add3A, %dma_wait3A_94] : memref<4x32x128xi32, #tpu.memory_space<hbm>> -> memref<1x1x128xi32, #tpu.memory_space<hbm>>
    %dma_wait3A_96 = tpu.memref_squeeze %dma_wait3A_95 : memref<1x1x128xi32, #tpu.memory_space<hbm>> -> memref<128xi32, #tpu.memory_space<hbm>>
    tpu.wait_dma2 semaphore(%arg27 : memref<!tpu.dma_semaphore, #tpu.memory_space<semaphore_mem>>) src(%dma_wait3A_96 : memref<128xi32, #tpu.memory_space<hbm>>) dst(%dma_wait3A_93 : memref<128xi32, #tpu.memory_space<vmem>>)
    %dma_wait3A_97 = arith.constant 0 : i32
    %dma_wait3A_98 = arith.constant 0 : i32
    %dma_wait3A_99 = arith.constant 0 : i32
    %dma_wait3A_100 = tpu.memref_slice %arg8[%dma_wait3A_98, %dma_wait3A_99] : memref<3x128xi32, #tpu.memory_space<vmem>> -> memref<1x128xi32, #tpu.memory_space<vmem>>
    %dma_wait3A_101 = tpu.memref_squeeze %dma_wait3A_100 : memref<1x128xi32, #tpu.memory_space<vmem>> -> memref<128xi32, #tpu.memory_space<vmem>>
    %dma_wait3A_102 = arith.constant 0 : i32
    %dma_wait3A_103 = tpu.memref_slice %arg3[%dma_wait3A_97, %add3A, %dma_wait3A_102] : memref<4x32x128xi32, #tpu.memory_space<hbm>> -> memref<1x1x128xi32, #tpu.memory_space<hbm>>
    %dma_wait3A_104 = tpu.memref_squeeze %dma_wait3A_103 : memref<1x1x128xi32, #tpu.memory_space<hbm>> -> memref<128xi32, #tpu.memory_space<hbm>>
    %dma_wait3A_105 = arith.constant 0 : i32
    %dma_wait3A_106 = tpu.memref_slice %arg8[%dma_wait3A_98, %dma_wait3A_105] : memref<3x128xi32, #tpu.memory_space<vmem>> -> memref<1x128xi32, #tpu.memory_space<vmem>>
    %dma_wait3A_107 = tpu.memref_squeeze %dma_wait3A_106 : memref<1x128xi32, #tpu.memory_space<vmem>> -> memref<128xi32, #tpu.memory_space<vmem>>
    %dma_wait3A_108 = arith.constant 0 : i32
    %dma_wait3A_109 = tpu.memref_slice %arg3[%dma_wait3A_97, %add3A, %dma_wait3A_108] : memref<4x32x128xi32, #tpu.memory_space<hbm>> -> memref<1x1x128xi32, #tpu.memory_space<hbm>>
    %dma_wait3A_110 = tpu.memref_squeeze %dma_wait3A_109 : memref<1x1x128xi32, #tpu.memory_space<hbm>> -> memref<128xi32, #tpu.memory_space<hbm>>
    tpu.wait_dma2 semaphore(%arg28 : memref<!tpu.dma_semaphore, #tpu.memory_space<semaphore_mem>>) src(%dma_wait3A_110 : memref<128xi32, #tpu.memory_space<hbm>>) dst(%dma_wait3A_107 : memref<128xi32, #tpu.memory_space<vmem>>)
    %dma_wait3A_111 = arith.constant 1 : i32
    %dma_wait3A_112 = arith.constant 1 : i32
    %dma_wait3A_113 = arith.constant 0 : i32
    %dma_wait3A_114 = tpu.memref_slice %arg7[%dma_wait3A_112, %dma_wait3A_113] : memref<3x128xi32, #tpu.memory_space<vmem>> -> memref<1x128xi32, #tpu.memory_space<vmem>>
    %dma_wait3A_115 = tpu.memref_squeeze %dma_wait3A_114 : memref<1x128xi32, #tpu.memory_space<vmem>> -> memref<128xi32, #tpu.memory_space<vmem>>
    %dma_wait3A_116 = arith.constant 0 : i32
    %dma_wait3A_117 = tpu.memref_slice %arg2[%dma_wait3A_111, %add3A, %dma_wait3A_116] : memref<4x32x128xi32, #tpu.memory_space<hbm>> -> memref<1x1x128xi32, #tpu.memory_space<hbm>>
    %dma_wait3A_118 = tpu.memref_squeeze %dma_wait3A_117 : memref<1x1x128xi32, #tpu.memory_space<hbm>> -> memref<128xi32, #tpu.memory_space<hbm>>
    %dma_wait3A_119 = arith.constant 0 : i32
    %dma_wait3A_120 = tpu.memref_slice %arg7[%dma_wait3A_112, %dma_wait3A_119] : memref<3x128xi32, #tpu.memory_space<vmem>> -> memref<1x128xi32, #tpu.memory_space<vmem>>
    %dma_wait3A_121 = tpu.memref_squeeze %dma_wait3A_120 : memref<1x128xi32, #tpu.memory_space<vmem>> -> memref<128xi32, #tpu.memory_space<vmem>>
    %dma_wait3A_122 = arith.constant 0 : i32
    %dma_wait3A_123 = tpu.memref_slice %arg2[%dma_wait3A_111, %add3A, %dma_wait3A_122] : memref<4x32x128xi32, #tpu.memory_space<hbm>> -> memref<1x1x128xi32, #tpu.memory_space<hbm>>
    %dma_wait3A_124 = tpu.memref_squeeze %dma_wait3A_123 : memref<1x1x128xi32, #tpu.memory_space<hbm>> -> memref<128xi32, #tpu.memory_space<hbm>>
    tpu.wait_dma2 semaphore(%arg29 : memref<!tpu.dma_semaphore, #tpu.memory_space<semaphore_mem>>) src(%dma_wait3A_124 : memref<128xi32, #tpu.memory_space<hbm>>) dst(%dma_wait3A_121 : memref<128xi32, #tpu.memory_space<vmem>>)
    %dma_wait3A_125 = arith.constant 1 : i32
    %dma_wait3A_126 = arith.constant 1 : i32
    %dma_wait3A_127 = arith.constant 0 : i32
    %dma_wait3A_128 = tpu.memref_slice %arg8[%dma_wait3A_126, %dma_wait3A_127] : memref<3x128xi32, #tpu.memory_space<vmem>> -> memref<1x128xi32, #tpu.memory_space<vmem>>
    %dma_wait3A_129 = tpu.memref_squeeze %dma_wait3A_128 : memref<1x128xi32, #tpu.memory_space<vmem>> -> memref<128xi32, #tpu.memory_space<vmem>>
    %dma_wait3A_130 = arith.constant 0 : i32
    %dma_wait3A_131 = tpu.memref_slice %arg3[%dma_wait3A_125, %add3A, %dma_wait3A_130] : memref<4x32x128xi32, #tpu.memory_space<hbm>> -> memref<1x1x128xi32, #tpu.memory_space<hbm>>
    %dma_wait3A_132 = tpu.memref_squeeze %dma_wait3A_131 : memref<1x1x128xi32, #tpu.memory_space<hbm>> -> memref<128xi32, #tpu.memory_space<hbm>>
    %dma_wait3A_133 = arith.constant 0 : i32
    %dma_wait3A_134 = tpu.memref_slice %arg8[%dma_wait3A_126, %dma_wait3A_133] : memref<3x128xi32, #tpu.memory_space<vmem>> -> memref<1x128xi32, #tpu.memory_space<vmem>>
    %dma_wait3A_135 = tpu.memref_squeeze %dma_wait3A_134 : memref<1x128xi32, #tpu.memory_space<vmem>> -> memref<128xi32, #tpu.memory_space<vmem>>
    %dma_wait3A_136 = arith.constant 0 : i32
    %dma_wait3A_137 = tpu.memref_slice %arg3[%dma_wait3A_125, %add3A, %dma_wait3A_136] : memref<4x32x128xi32, #tpu.memory_space<hbm>> -> memref<1x1x128xi32, #tpu.memory_space<hbm>>
    %dma_wait3A_138 = tpu.memref_squeeze %dma_wait3A_137 : memref<1x1x128xi32, #tpu.memory_space<hbm>> -> memref<128xi32, #tpu.memory_space<hbm>>
    tpu.wait_dma2 semaphore(%arg30 : memref<!tpu.dma_semaphore, #tpu.memory_space<semaphore_mem>>) src(%dma_wait3A_138 : memref<128xi32, #tpu.memory_space<hbm>>) dst(%dma_wait3A_135 : memref<128xi32, #tpu.memory_space<vmem>>)
    %dma_wait3A_139 = arith.constant 2 : i32
    %dma_wait3A_140 = arith.constant 2 : i32
    %dma_wait3A_141 = arith.constant 0 : i32
    %dma_wait3A_142 = tpu.memref_slice %arg7[%dma_wait3A_140, %dma_wait3A_141] : memref<3x128xi32, #tpu.memory_space<vmem>> -> memref<1x128xi32, #tpu.memory_space<vmem>>
    %dma_wait3A_143 = tpu.memref_squeeze %dma_wait3A_142 : memref<1x128xi32, #tpu.memory_space<vmem>> -> memref<128xi32, #tpu.memory_space<vmem>>
    %dma_wait3A_144 = arith.constant 0 : i32
    %dma_wait3A_145 = tpu.memref_slice %arg2[%dma_wait3A_139, %add3A, %dma_wait3A_144] : memref<4x32x128xi32, #tpu.memory_space<hbm>> -> memref<1x1x128xi32, #tpu.memory_space<hbm>>
    %dma_wait3A_146 = tpu.memref_squeeze %dma_wait3A_145 : memref<1x1x128xi32, #tpu.memory_space<hbm>> -> memref<128xi32, #tpu.memory_space<hbm>>
    %dma_wait3A_147 = arith.constant 0 : i32
    %dma_wait3A_148 = tpu.memref_slice %arg7[%dma_wait3A_140, %dma_wait3A_147] : memref<3x128xi32, #tpu.memory_space<vmem>> -> memref<1x128xi32, #tpu.memory_space<vmem>>
    %dma_wait3A_149 = tpu.memref_squeeze %dma_wait3A_148 : memref<1x128xi32, #tpu.memory_space<vmem>> -> memref<128xi32, #tpu.memory_space<vmem>>
    %dma_wait3A_150 = arith.constant 0 : i32
    %dma_wait3A_151 = tpu.memref_slice %arg2[%dma_wait3A_139, %add3A, %dma_wait3A_150] : memref<4x32x128xi32, #tpu.memory_space<hbm>> -> memref<1x1x128xi32, #tpu.memory_space<hbm>>
    %dma_wait3A_152 = tpu.memref_squeeze %dma_wait3A_151 : memref<1x1x128xi32, #tpu.memory_space<hbm>> -> memref<128xi32, #tpu.memory_space<hbm>>
    tpu.wait_dma2 semaphore(%arg31 : memref<!tpu.dma_semaphore, #tpu.memory_space<semaphore_mem>>) src(%dma_wait3A_152 : memref<128xi32, #tpu.memory_space<hbm>>) dst(%dma_wait3A_149 : memref<128xi32, #tpu.memory_space<vmem>>)
    %dma_wait3A_153 = arith.constant 2 : i32
    %dma_wait3A_154 = arith.constant 2 : i32
    %dma_wait3A_155 = arith.constant 0 : i32
    %dma_wait3A_156 = tpu.memref_slice %arg8[%dma_wait3A_154, %dma_wait3A_155] : memref<3x128xi32, #tpu.memory_space<vmem>> -> memref<1x128xi32, #tpu.memory_space<vmem>>
    %dma_wait3A_157 = tpu.memref_squeeze %dma_wait3A_156 : memref<1x128xi32, #tpu.memory_space<vmem>> -> memref<128xi32, #tpu.memory_space<vmem>>
    %dma_wait3A_158 = arith.constant 0 : i32
    %dma_wait3A_159 = tpu.memref_slice %arg3[%dma_wait3A_153, %add3A, %dma_wait3A_158] : memref<4x32x128xi32, #tpu.memory_space<hbm>> -> memref<1x1x128xi32, #tpu.memory_space<hbm>>
    %dma_wait3A_160 = tpu.memref_squeeze %dma_wait3A_159 : memref<1x1x128xi32, #tpu.memory_space<hbm>> -> memref<128xi32, #tpu.memory_space<hbm>>
    %dma_wait3A_161 = arith.constant 0 : i32
    %dma_wait3A_162 = tpu.memref_slice %arg8[%dma_wait3A_154, %dma_wait3A_161] : memref<3x128xi32, #tpu.memory_space<vmem>> -> memref<1x128xi32, #tpu.memory_space<vmem>>
    %dma_wait3A_163 = tpu.memref_squeeze %dma_wait3A_162 : memref<1x128xi32, #tpu.memory_space<vmem>> -> memref<128xi32, #tpu.memory_space<vmem>>
    %dma_wait3A_164 = arith.constant 0 : i32
    %dma_wait3A_165 = tpu.memref_slice %arg3[%dma_wait3A_153, %add3A, %dma_wait3A_164] : memref<4x32x128xi32, #tpu.memory_space<hbm>> -> memref<1x1x128xi32, #tpu.memory_space<hbm>>
    %dma_wait3A_166 = tpu.memref_squeeze %dma_wait3A_165 : memref<1x1x128xi32, #tpu.memory_space<hbm>> -> memref<128xi32, #tpu.memory_space<hbm>>
    tpu.wait_dma2 semaphore(%arg32 : memref<!tpu.dma_semaphore, #tpu.memory_space<semaphore_mem>>) src(%dma_wait3A_166 : memref<128xi32, #tpu.memory_space<hbm>>) dst(%dma_wait3A_163 : memref<128xi32, #tpu.memory_space<vmem>>)
    %dma_start3A_167 = arith.constant 0 : i32
    %dma_start3A_168 = arith.constant 0 : i32
    %dma_start3A_169 = tpu.memref_slice %arg7[%dma_start3A_167, %dma_start3A_168] : memref<3x128xi32, #tpu.memory_space<vmem>> -> memref<1x128xi32, #tpu.memory_space<vmem>>
    %dma_start3A_170 = tpu.memref_squeeze %dma_start3A_169 : memref<1x128xi32, #tpu.memory_space<vmem>> -> memref<128xi32, #tpu.memory_space<vmem>>
    %dma_start3A_171 = arith.constant 0 : i32
    %dma_start3A_172 = arith.constant 0 : i32
    %dma_start3A_173 = tpu.memref_slice %arg4[%dma_start3A_171, %dma_start3A_172] : memref<100000x128xf32, #tpu.memory_space<hbm>> -> memref<100000x128xf32, #tpu.memory_space<hbm>>
    tpu.enqueue_indirect_dma source(%dma_start3A_173 : memref<100000x128xf32, #tpu.memory_space<hbm>>) target(%arg9 : memref<128x128xf32, #tpu.memory_space<vmem>>) offsets(%dma_start3A_170 : memref<128xi32, #tpu.memory_space<vmem>>) semaphore(%arg15 : memref<!tpu.dma_semaphore, #tpu.memory_space<semaphore_mem>>)
    %dma_start3A_174 = arith.constant 1 : i32
    %dma_start3A_175 = arith.constant 0 : i32
    %dma_start3A_176 = tpu.memref_slice %arg7[%dma_start3A_174, %dma_start3A_175] : memref<3x128xi32, #tpu.memory_space<vmem>> -> memref<1x128xi32, #tpu.memory_space<vmem>>
    %dma_start3A_177 = tpu.memref_squeeze %dma_start3A_176 : memref<1x128xi32, #tpu.memory_space<vmem>> -> memref<128xi32, #tpu.memory_space<vmem>>
    %dma_start3A_178 = arith.constant 0 : i32
    %dma_start3A_179 = arith.constant 0 : i32
    %dma_start3A_180 = tpu.memref_slice %arg4[%dma_start3A_178, %dma_start3A_179] : memref<100000x128xf32, #tpu.memory_space<hbm>> -> memref<100000x128xf32, #tpu.memory_space<hbm>>
    tpu.enqueue_indirect_dma source(%dma_start3A_180 : memref<100000x128xf32, #tpu.memory_space<hbm>>) target(%arg10 : memref<128x128xf32, #tpu.memory_space<vmem>>) offsets(%dma_start3A_177 : memref<128xi32, #tpu.memory_space<vmem>>) semaphore(%arg16 : memref<!tpu.dma_semaphore, #tpu.memory_space<semaphore_mem>>)
    %dma_start3A_181 = arith.constant 2 : i32
    %dma_start3A_182 = arith.constant 0 : i32
    %dma_start3A_183 = tpu.memref_slice %arg7[%dma_start3A_181, %dma_start3A_182] : memref<3x128xi32, #tpu.memory_space<vmem>> -> memref<1x128xi32, #tpu.memory_space<vmem>>
    %dma_start3A_184 = tpu.memref_squeeze %dma_start3A_183 : memref<1x128xi32, #tpu.memory_space<vmem>> -> memref<128xi32, #tpu.memory_space<vmem>>
    %dma_start3A_185 = arith.constant 0 : i32
    %dma_start3A_186 = arith.constant 0 : i32
    %dma_start3A_187 = tpu.memref_slice %arg4[%dma_start3A_185, %dma_start3A_186] : memref<100000x128xf32, #tpu.memory_space<hbm>> -> memref<100000x128xf32, #tpu.memory_space<hbm>>
    tpu.enqueue_indirect_dma source(%dma_start3A_187 : memref<100000x128xf32, #tpu.memory_space<hbm>>) target(%arg11 : memref<128x128xf32, #tpu.memory_space<vmem>>) offsets(%dma_start3A_184 : memref<128xi32, #tpu.memory_space<vmem>>) semaphore(%arg17 : memref<!tpu.dma_semaphore, #tpu.memory_space<semaphore_mem>>)
    %dma_start3A_188 = arith.constant 0 : i32
    %dma_start3A_189 = arith.constant 0 : i32
    %dma_start3A_190 = tpu.memref_slice %arg8[%dma_start3A_188, %dma_start3A_189] : memref<3x128xi32, #tpu.memory_space<vmem>> -> memref<1x128xi32, #tpu.memory_space<vmem>>
    %dma_start3A_191 = tpu.memref_squeeze %dma_start3A_190 : memref<1x128xi32, #tpu.memory_space<vmem>> -> memref<128xi32, #tpu.memory_space<vmem>>
    %dma_start3A_192 = arith.constant 0 : i32
    %dma_start3A_193 = arith.constant 0 : i32
    %dma_start3A_194 = tpu.memref_slice %arg5[%dma_start3A_192, %dma_start3A_193] : memref<100000x128xf32, #tpu.memory_space<hbm>> -> memref<100000x128xf32, #tpu.memory_space<hbm>>
    tpu.enqueue_indirect_dma source(%dma_start3A_194 : memref<100000x128xf32, #tpu.memory_space<hbm>>) target(%arg12 : memref<128x128xf32, #tpu.memory_space<vmem>>) offsets(%dma_start3A_191 : memref<128xi32, #tpu.memory_space<vmem>>) semaphore(%arg18 : memref<!tpu.dma_semaphore, #tpu.memory_space<semaphore_mem>>)
    %dma_start3A_195 = arith.constant 1 : i32
    %dma_start3A_196 = arith.constant 0 : i32
    %dma_start3A_197 = tpu.memref_slice %arg8[%dma_start3A_195, %dma_start3A_196] : memref<3x128xi32, #tpu.memory_space<vmem>> -> memref<1x128xi32, #tpu.memory_space<vmem>>
    %dma_start3A_198 = tpu.memref_squeeze %dma_start3A_197 : memref<1x128xi32, #tpu.memory_space<vmem>> -> memref<128xi32, #tpu.memory_space<vmem>>
    %dma_start3A_199 = arith.constant 0 : i32
    %dma_start3A_200 = arith.constant 0 : i32
    %dma_start3A_201 = tpu.memref_slice %arg5[%dma_start3A_199, %dma_start3A_200] : memref<100000x128xf32, #tpu.memory_space<hbm>> -> memref<100000x128xf32, #tpu.memory_space<hbm>>
    tpu.enqueue_indirect_dma source(%dma_start3A_201 : memref<100000x128xf32, #tpu.memory_space<hbm>>) target(%arg13 : memref<128x128xf32, #tpu.memory_space<vmem>>) offsets(%dma_start3A_198 : memref<128xi32, #tpu.memory_space<vmem>>) semaphore(%arg19 : memref<!tpu.dma_semaphore, #tpu.memory_space<semaphore_mem>>)
    %dma_start3A_202 = arith.constant 2 : i32
    %dma_start3A_203 = arith.constant 0 : i32
    %dma_start3A_204 = tpu.memref_slice %arg8[%dma_start3A_202, %dma_start3A_203] : memref<3x128xi32, #tpu.memory_space<vmem>> -> memref<1x128xi32, #tpu.memory_space<vmem>>
    %dma_start3A_205 = tpu.memref_squeeze %dma_start3A_204 : memref<1x128xi32, #tpu.memory_space<vmem>> -> memref<128xi32, #tpu.memory_space<vmem>>
    %dma_start3A_206 = arith.constant 0 : i32
    %dma_start3A_207 = arith.constant 0 : i32
    %dma_start3A_208 = tpu.memref_slice %arg5[%dma_start3A_206, %dma_start3A_207] : memref<100000x128xf32, #tpu.memory_space<hbm>> -> memref<100000x128xf32, #tpu.memory_space<hbm>>
    tpu.enqueue_indirect_dma source(%dma_start3A_208 : memref<100000x128xf32, #tpu.memory_space<hbm>>) target(%arg14 : memref<128x128xf32, #tpu.memory_space<vmem>>) offsets(%dma_start3A_205 : memref<128xi32, #tpu.memory_space<vmem>>) semaphore(%arg20 : memref<!tpu.dma_semaphore, #tpu.memory_space<semaphore_mem>>)
    %dma_wait3A_209 = arith.constant 0 : i32
    %dma_wait3A_210 = arith.constant 0 : i32
    %dma_wait3A_211 = tpu.memref_slice %arg7[%dma_wait3A_209, %dma_wait3A_210] : memref<3x128xi32, #tpu.memory_space<vmem>> -> memref<1x128xi32, #tpu.memory_space<vmem>>
    %dma_wait3A_212 = tpu.memref_squeeze %dma_wait3A_211 : memref<1x128xi32, #tpu.memory_space<vmem>> -> memref<128xi32, #tpu.memory_space<vmem>>
    %dma_wait3A_213 = arith.constant 0 : i32
    %dma_wait3A_214 = arith.constant 0 : i32
    %dma_wait3A_215 = tpu.memref_slice %arg4[%dma_wait3A_213, %dma_wait3A_214] : memref<100000x128xf32, #tpu.memory_space<hbm>> -> memref<100000x128xf32, #tpu.memory_space<hbm>>
    tpu.wait_indirect_dma semaphore(%arg15 : memref<!tpu.dma_semaphore, #tpu.memory_space<semaphore_mem>>) src(%dma_wait3A_215 : memref<100000x128xf32, #tpu.memory_space<hbm>>) dst(%arg9 : memref<128x128xf32, #tpu.memory_space<vmem>>)
    %add3A_216 = arith.constant 0 : i32
    %add3A_217 = arith.addi %add3A_216, %add3A : i32
    %mul3A_218 = arith.constant 128 : i32
    %mul3A_219 = arith.muli %add3A_217, %mul3A_218 : i32
    %dma_start3A_220 = arith.constant 0 : i32
    %dma_start3A_221 = arith.constant 0 : i32
    %dma_start3A_222 = tpu.memref_slice %arg6[%dma_start3A_220, %mul3A_219, %dma_start3A_221] : memref<2x12288x128xf32, #tpu.memory_space<hbm>> -> memref<1x128x128xf32, #tpu.memory_space<hbm>>
    %dma_start3A_223 = tpu.memref_squeeze %dma_start3A_222 : memref<1x128x128xf32, #tpu.memory_space<hbm>> -> memref<128x128xf32, #tpu.memory_space<hbm>>
    %dma_start3A_224 = arith.constant 0 : i32
    %dma_start3A_225 = tpu.memref_slice %arg6[%dma_start3A_220, %mul3A_219, %dma_start3A_224] : memref<2x12288x128xf32, #tpu.memory_space<hbm>> -> memref<1x128x128xf32, #tpu.memory_space<hbm>>
    %dma_start3A_226 = tpu.memref_squeeze %dma_start3A_225 : memref<1x128x128xf32, #tpu.memory_space<hbm>> -> memref<128x128xf32, #tpu.memory_space<hbm>>
    tpu.enqueue_dma source(%arg9 : memref<128x128xf32, #tpu.memory_space<vmem>>) target(%dma_start3A_226 : memref<128x128xf32, #tpu.memory_space<hbm>>) target_semaphore(%arg21 : memref<!tpu.dma_semaphore, #tpu.memory_space<semaphore_mem>>)
    %dma_wait3A_227 = arith.constant 1 : i32
    %dma_wait3A_228 = arith.constant 0 : i32
    %dma_wait3A_229 = tpu.memref_slice %arg7[%dma_wait3A_227, %dma_wait3A_228] : memref<3x128xi32, #tpu.memory_space<vmem>> -> memref<1x128xi32, #tpu.memory_space<vmem>>
    %dma_wait3A_230 = tpu.memref_squeeze %dma_wait3A_229 : memref<1x128xi32, #tpu.memory_space<vmem>> -> memref<128xi32, #tpu.memory_space<vmem>>
    %dma_wait3A_231 = arith.constant 0 : i32
    %dma_wait3A_232 = arith.constant 0 : i32
    %dma_wait3A_233 = tpu.memref_slice %arg4[%dma_wait3A_231, %dma_wait3A_232] : memref<100000x128xf32, #tpu.memory_space<hbm>> -> memref<100000x128xf32, #tpu.memory_space<hbm>>
    tpu.wait_indirect_dma semaphore(%arg16 : memref<!tpu.dma_semaphore, #tpu.memory_space<semaphore_mem>>) src(%dma_wait3A_233 : memref<100000x128xf32, #tpu.memory_space<hbm>>) dst(%arg10 : memref<128x128xf32, #tpu.memory_space<vmem>>)
    %add3A_234 = arith.constant 32 : i32
    %add3A_235 = arith.addi %add3A_234, %add3A : i32
    %mul3A_236 = arith.constant 128 : i32
    %mul3A_237 = arith.muli %add3A_235, %mul3A_236 : i32
    %dma_start3A_238 = arith.constant 0 : i32
    %dma_start3A_239 = arith.constant 0 : i32
    %dma_start3A_240 = tpu.memref_slice %arg6[%dma_start3A_238, %mul3A_237, %dma_start3A_239] : memref<2x12288x128xf32, #tpu.memory_space<hbm>> -> memref<1x128x128xf32, #tpu.memory_space<hbm>>
    %dma_start3A_241 = tpu.memref_squeeze %dma_start3A_240 : memref<1x128x128xf32, #tpu.memory_space<hbm>> -> memref<128x128xf32, #tpu.memory_space<hbm>>
    %dma_start3A_242 = arith.constant 0 : i32
    %dma_start3A_243 = tpu.memref_slice %arg6[%dma_start3A_238, %mul3A_237, %dma_start3A_242] : memref<2x12288x128xf32, #tpu.memory_space<hbm>> -> memref<1x128x128xf32, #tpu.memory_space<hbm>>
    %dma_start3A_244 = tpu.memref_squeeze %dma_start3A_243 : memref<1x128x128xf32, #tpu.memory_space<hbm>> -> memref<128x128xf32, #tpu.memory_space<hbm>>
    tpu.enqueue_dma source(%arg10 : memref<128x128xf32, #tpu.memory_space<vmem>>) target(%dma_start3A_244 : memref<128x128xf32, #tpu.memory_space<hbm>>) target_semaphore(%arg22 : memref<!tpu.dma_semaphore, #tpu.memory_space<semaphore_mem>>)
    %dma_wait3A_245 = arith.constant 2 : i32
    %dma_wait3A_246 = arith.constant 0 : i32
    %dma_wait3A_247 = tpu.memref_slice %arg7[%dma_wait3A_245, %dma_wait3A_246] : memref<3x128xi32, #tpu.memory_space<vmem>> -> memref<1x128xi32, #tpu.memory_space<vmem>>
    %dma_wait3A_248 = tpu.memref_squeeze %dma_wait3A_247 : memref<1x128xi32, #tpu.memory_space<vmem>> -> memref<128xi32, #tpu.memory_space<vmem>>
    %dma_wait3A_249 = arith.constant 0 : i32
    %dma_wait3A_250 = arith.constant 0 : i32
    %dma_wait3A_251 = tpu.memref_slice %arg4[%dma_wait3A_249, %dma_wait3A_250] : memref<100000x128xf32, #tpu.memory_space<hbm>> -> memref<100000x128xf32, #tpu.memory_space<hbm>>
    tpu.wait_indirect_dma semaphore(%arg17 : memref<!tpu.dma_semaphore, #tpu.memory_space<semaphore_mem>>) src(%dma_wait3A_251 : memref<100000x128xf32, #tpu.memory_space<hbm>>) dst(%arg11 : memref<128x128xf32, #tpu.memory_space<vmem>>)
    %add3A_252 = arith.constant 64 : i32
    %add3A_253 = arith.addi %add3A_252, %add3A : i32
    %mul3A_254 = arith.constant 128 : i32
    %mul3A_255 = arith.muli %add3A_253, %mul3A_254 : i32
    %dma_start3A_256 = arith.constant 0 : i32
    %dma_start3A_257 = arith.constant 0 : i32
    %dma_start3A_258 = tpu.memref_slice %arg6[%dma_start3A_256, %mul3A_255, %dma_start3A_257] : memref<2x12288x128xf32, #tpu.memory_space<hbm>> -> memref<1x128x128xf32, #tpu.memory_space<hbm>>
    %dma_start3A_259 = tpu.memref_squeeze %dma_start3A_258 : memref<1x128x128xf32, #tpu.memory_space<hbm>> -> memref<128x128xf32, #tpu.memory_space<hbm>>
    %dma_start3A_260 = arith.constant 0 : i32
    %dma_start3A_261 = tpu.memref_slice %arg6[%dma_start3A_256, %mul3A_255, %dma_start3A_260] : memref<2x12288x128xf32, #tpu.memory_space<hbm>> -> memref<1x128x128xf32, #tpu.memory_space<hbm>>
    %dma_start3A_262 = tpu.memref_squeeze %dma_start3A_261 : memref<1x128x128xf32, #tpu.memory_space<hbm>> -> memref<128x128xf32, #tpu.memory_space<hbm>>
    tpu.enqueue_dma source(%arg11 : memref<128x128xf32, #tpu.memory_space<vmem>>) target(%dma_start3A_262 : memref<128x128xf32, #tpu.memory_space<hbm>>) target_semaphore(%arg23 : memref<!tpu.dma_semaphore, #tpu.memory_space<semaphore_mem>>)
    %dma_wait3A_263 = arith.constant 0 : i32
    %dma_wait3A_264 = arith.constant 0 : i32
    %dma_wait3A_265 = tpu.memref_slice %arg8[%dma_wait3A_263, %dma_wait3A_264] : memref<3x128xi32, #tpu.memory_space<vmem>> -> memref<1x128xi32, #tpu.memory_space<vmem>>
    %dma_wait3A_266 = tpu.memref_squeeze %dma_wait3A_265 : memref<1x128xi32, #tpu.memory_space<vmem>> -> memref<128xi32, #tpu.memory_space<vmem>>
    %dma_wait3A_267 = arith.constant 0 : i32
    %dma_wait3A_268 = arith.constant 0 : i32
    %dma_wait3A_269 = tpu.memref_slice %arg5[%dma_wait3A_267, %dma_wait3A_268] : memref<100000x128xf32, #tpu.memory_space<hbm>> -> memref<100000x128xf32, #tpu.memory_space<hbm>>
    tpu.wait_indirect_dma semaphore(%arg18 : memref<!tpu.dma_semaphore, #tpu.memory_space<semaphore_mem>>) src(%dma_wait3A_269 : memref<100000x128xf32, #tpu.memory_space<hbm>>) dst(%arg12 : memref<128x128xf32, #tpu.memory_space<vmem>>)
    %add3A_270 = arith.constant 0 : i32
    %add3A_271 = arith.addi %add3A_270, %add3A : i32
    %mul3A_272 = arith.constant 128 : i32
    %mul3A_273 = arith.muli %add3A_271, %mul3A_272 : i32
    %dma_start3A_274 = arith.constant 1 : i32
    %dma_start3A_275 = arith.constant 0 : i32
    %dma_start3A_276 = tpu.memref_slice %arg6[%dma_start3A_274, %mul3A_273, %dma_start3A_275] : memref<2x12288x128xf32, #tpu.memory_space<hbm>> -> memref<1x128x128xf32, #tpu.memory_space<hbm>>
    %dma_start3A_277 = tpu.memref_squeeze %dma_start3A_276 : memref<1x128x128xf32, #tpu.memory_space<hbm>> -> memref<128x128xf32, #tpu.memory_space<hbm>>
    %dma_start3A_278 = arith.constant 0 : i32
    %dma_start3A_279 = tpu.memref_slice %arg6[%dma_start3A_274, %mul3A_273, %dma_start3A_278] : memref<2x12288x128xf32, #tpu.memory_space<hbm>> -> memref<1x128x128xf32, #tpu.memory_space<hbm>>
    %dma_start3A_280 = tpu.memref_squeeze %dma_start3A_279 : memref<1x128x128xf32, #tpu.memory_space<hbm>> -> memref<128x128xf32, #tpu.memory_space<hbm>>
    tpu.enqueue_dma source(%arg12 : memref<128x128xf32, #tpu.memory_space<vmem>>) target(%dma_start3A_280 : memref<128x128xf32, #tpu.memory_space<hbm>>) target_semaphore(%arg24 : memref<!tpu.dma_semaphore, #tpu.memory_space<semaphore_mem>>)
    %dma_wait3A_281 = arith.constant 1 : i32
    %dma_wait3A_282 = arith.constant 0 : i32
    %dma_wait3A_283 = tpu.memref_slice %arg8[%dma_wait3A_281, %dma_wait3A_282] : memref<3x128xi32, #tpu.memory_space<vmem>> -> memref<1x128xi32, #tpu.memory_space<vmem>>
    %dma_wait3A_284 = tpu.memref_squeeze %dma_wait3A_283 : memref<1x128xi32, #tpu.memory_space<vmem>> -> memref<128xi32, #tpu.memory_space<vmem>>
    %dma_wait3A_285 = arith.constant 0 : i32
    %dma_wait3A_286 = arith.constant 0 : i32
    %dma_wait3A_287 = tpu.memref_slice %arg5[%dma_wait3A_285, %dma_wait3A_286] : memref<100000x128xf32, #tpu.memory_space<hbm>> -> memref<100000x128xf32, #tpu.memory_space<hbm>>
    tpu.wait_indirect_dma semaphore(%arg19 : memref<!tpu.dma_semaphore, #tpu.memory_space<semaphore_mem>>) src(%dma_wait3A_287 : memref<100000x128xf32, #tpu.memory_space<hbm>>) dst(%arg13 : memref<128x128xf32, #tpu.memory_space<vmem>>)
    %add3A_288 = arith.constant 32 : i32
    %add3A_289 = arith.addi %add3A_288, %add3A : i32
    %mul3A_290 = arith.constant 128 : i32
    %mul3A_291 = arith.muli %add3A_289, %mul3A_290 : i32
    %dma_start3A_292 = arith.constant 1 : i32
    %dma_start3A_293 = arith.constant 0 : i32
    %dma_start3A_294 = tpu.memref_slice %arg6[%dma_start3A_292, %mul3A_291, %dma_start3A_293] : memref<2x12288x128xf32, #tpu.memory_space<hbm>> -> memref<1x128x128xf32, #tpu.memory_space<hbm>>
    %dma_start3A_295 = tpu.memref_squeeze %dma_start3A_294 : memref<1x128x128xf32, #tpu.memory_space<hbm>> -> memref<128x128xf32, #tpu.memory_space<hbm>>
    %dma_start3A_296 = arith.constant 0 : i32
    %dma_start3A_297 = tpu.memref_slice %arg6[%dma_start3A_292, %mul3A_291, %dma_start3A_296] : memref<2x12288x128xf32, #tpu.memory_space<hbm>> -> memref<1x128x128xf32, #tpu.memory_space<hbm>>
    %dma_start3A_298 = tpu.memref_squeeze %dma_start3A_297 : memref<1x128x128xf32, #tpu.memory_space<hbm>> -> memref<128x128xf32, #tpu.memory_space<hbm>>
    tpu.enqueue_dma source(%arg13 : memref<128x128xf32, #tpu.memory_space<vmem>>) target(%dma_start3A_298 : memref<128x128xf32, #tpu.memory_space<hbm>>) target_semaphore(%arg25 : memref<!tpu.dma_semaphore, #tpu.memory_space<semaphore_mem>>)
    %dma_wait3A_299 = arith.constant 2 : i32
    %dma_wait3A_300 = arith.constant 0 : i32
    %dma_wait3A_301 = tpu.memref_slice %arg8[%dma_wait3A_299, %dma_wait3A_300] : memref<3x128xi32, #tpu.memory_space<vmem>> -> memref<1x128xi32, #tpu.memory_space<vmem>>
    %dma_wait3A_302 = tpu.memref_squeeze %dma_wait3A_301 : memref<1x128xi32, #tpu.memory_space<vmem>> -> memref<128xi32, #tpu.memory_space<vmem>>
    %dma_wait3A_303 = arith.constant 0 : i32
    %dma_wait3A_304 = arith.constant 0 : i32
    %dma_wait3A_305 = tpu.memref_slice %arg5[%dma_wait3A_303, %dma_wait3A_304] : memref<100000x128xf32, #tpu.memory_space<hbm>> -> memref<100000x128xf32, #tpu.memory_space<hbm>>
    tpu.wait_indirect_dma semaphore(%arg20 : memref<!tpu.dma_semaphore, #tpu.memory_space<semaphore_mem>>) src(%dma_wait3A_305 : memref<100000x128xf32, #tpu.memory_space<hbm>>) dst(%arg14 : memref<128x128xf32, #tpu.memory_space<vmem>>)
    %add3A_306 = arith.constant 64 : i32
    %add3A_307 = arith.addi %add3A_306, %add3A : i32
    %mul3A_308 = arith.constant 128 : i32
    %mul3A_309 = arith.muli %add3A_307, %mul3A_308 : i32
    %dma_start3A_310 = arith.constant 1 : i32
    %dma_start3A_311 = arith.constant 0 : i32
    %dma_start3A_312 = tpu.memref_slice %arg6[%dma_start3A_310, %mul3A_309, %dma_start3A_311] : memref<2x12288x128xf32, #tpu.memory_space<hbm>> -> memref<1x128x128xf32, #tpu.memory_space<hbm>>
    %dma_start3A_313 = tpu.memref_squeeze %dma_start3A_312 : memref<1x128x128xf32, #tpu.memory_space<hbm>> -> memref<128x128xf32, #tpu.memory_space<hbm>>
    %dma_start3A_314 = arith.constant 0 : i32
    %dma_start3A_315 = tpu.memref_slice %arg6[%dma_start3A_310, %mul3A_309, %dma_start3A_314] : memref<2x12288x128xf32, #tpu.memory_space<hbm>> -> memref<1x128x128xf32, #tpu.memory_space<hbm>>
    %dma_start3A_316 = tpu.memref_squeeze %dma_start3A_315 : memref<1x128x128xf32, #tpu.memory_space<hbm>> -> memref<128x128xf32, #tpu.memory_space<hbm>>
    tpu.enqueue_dma source(%arg14 : memref<128x128xf32, #tpu.memory_space<vmem>>) target(%dma_start3A_316 : memref<128x128xf32, #tpu.memory_space<hbm>>) target_semaphore(%arg26 : memref<!tpu.dma_semaphore, #tpu.memory_space<semaphore_mem>>)
    %dma_wait3A_317 = arith.constant 0 : i32
    %dma_wait3A_318 = arith.constant 0 : i32
    %dma_wait3A_319 = tpu.memref_slice %arg6[%dma_wait3A_317, %mul3A_219, %dma_wait3A_318] : memref<2x12288x128xf32, #tpu.memory_space<hbm>> -> memref<1x128x128xf32, #tpu.memory_space<hbm>>
    %dma_wait3A_320 = tpu.memref_squeeze %dma_wait3A_319 : memref<1x128x128xf32, #tpu.memory_space<hbm>> -> memref<128x128xf32, #tpu.memory_space<hbm>>
    %dma_wait3A_321 = arith.constant 0 : i32
    %dma_wait3A_322 = tpu.memref_slice %arg6[%dma_wait3A_317, %mul3A_219, %dma_wait3A_321] : memref<2x12288x128xf32, #tpu.memory_space<hbm>> -> memref<1x128x128xf32, #tpu.memory_space<hbm>>
    %dma_wait3A_323 = tpu.memref_squeeze %dma_wait3A_322 : memref<1x128x128xf32, #tpu.memory_space<hbm>> -> memref<128x128xf32, #tpu.memory_space<hbm>>
    tpu.wait_dma2 semaphore(%arg21 : memref<!tpu.dma_semaphore, #tpu.memory_space<semaphore_mem>>) src(%arg9 : memref<128x128xf32, #tpu.memory_space<vmem>>) dst(%dma_wait3A_323 : memref<128x128xf32, #tpu.memory_space<hbm>>)
    %dma_wait3A_324 = arith.constant 0 : i32
    %dma_wait3A_325 = arith.constant 0 : i32
    %dma_wait3A_326 = tpu.memref_slice %arg6[%dma_wait3A_324, %mul3A_237, %dma_wait3A_325] : memref<2x12288x128xf32, #tpu.memory_space<hbm>> -> memref<1x128x128xf32, #tpu.memory_space<hbm>>
    %dma_wait3A_327 = tpu.memref_squeeze %dma_wait3A_326 : memref<1x128x128xf32, #tpu.memory_space<hbm>> -> memref<128x128xf32, #tpu.memory_space<hbm>>
    %dma_wait3A_328 = arith.constant 0 : i32
    %dma_wait3A_329 = tpu.memref_slice %arg6[%dma_wait3A_324, %mul3A_237, %dma_wait3A_328] : memref<2x12288x128xf32, #tpu.memory_space<hbm>> -> memref<1x128x128xf32, #tpu.memory_space<hbm>>
    %dma_wait3A_330 = tpu.memref_squeeze %dma_wait3A_329 : memref<1x128x128xf32, #tpu.memory_space<hbm>> -> memref<128x128xf32, #tpu.memory_space<hbm>>
    tpu.wait_dma2 semaphore(%arg22 : memref<!tpu.dma_semaphore, #tpu.memory_space<semaphore_mem>>) src(%arg10 : memref<128x128xf32, #tpu.memory_space<vmem>>) dst(%dma_wait3A_330 : memref<128x128xf32, #tpu.memory_space<hbm>>)
    %dma_wait3A_331 = arith.constant 0 : i32
    %dma_wait3A_332 = arith.constant 0 : i32
    %dma_wait3A_333 = tpu.memref_slice %arg6[%dma_wait3A_331, %mul3A_255, %dma_wait3A_332] : memref<2x12288x128xf32, #tpu.memory_space<hbm>> -> memref<1x128x128xf32, #tpu.memory_space<hbm>>
    %dma_wait3A_334 = tpu.memref_squeeze %dma_wait3A_333 : memref<1x128x128xf32, #tpu.memory_space<hbm>> -> memref<128x128xf32, #tpu.memory_space<hbm>>
    %dma_wait3A_335 = arith.constant 0 : i32
    %dma_wait3A_336 = tpu.memref_slice %arg6[%dma_wait3A_331, %mul3A_255, %dma_wait3A_335] : memref<2x12288x128xf32, #tpu.memory_space<hbm>> -> memref<1x128x128xf32, #tpu.memory_space<hbm>>
    %dma_wait3A_337 = tpu.memref_squeeze %dma_wait3A_336 : memref<1x128x128xf32, #tpu.memory_space<hbm>> -> memref<128x128xf32, #tpu.memory_space<hbm>>
    tpu.wait_dma2 semaphore(%arg23 : memref<!tpu.dma_semaphore, #tpu.memory_space<semaphore_mem>>) src(%arg11 : memref<128x128xf32, #tpu.memory_space<vmem>>) dst(%dma_wait3A_337 : memref<128x128xf32, #tpu.memory_space<hbm>>)
    %dma_wait3A_338 = arith.constant 1 : i32
    %dma_wait3A_339 = arith.constant 0 : i32
    %dma_wait3A_340 = tpu.memref_slice %arg6[%dma_wait3A_338, %mul3A_273, %dma_wait3A_339] : memref<2x12288x128xf32, #tpu.memory_space<hbm>> -> memref<1x128x128xf32, #tpu.memory_space<hbm>>
    %dma_wait3A_341 = tpu.memref_squeeze %dma_wait3A_340 : memref<1x128x128xf32, #tpu.memory_space<hbm>> -> memref<128x128xf32, #tpu.memory_space<hbm>>
    %dma_wait3A_342 = arith.constant 0 : i32
    %dma_wait3A_343 = tpu.memref_slice %arg6[%dma_wait3A_338, %mul3A_273, %dma_wait3A_342] : memref<2x12288x128xf32, #tpu.memory_space<hbm>> -> memref<1x128x128xf32, #tpu.memory_space<hbm>>
    %dma_wait3A_344 = tpu.memref_squeeze %dma_wait3A_343 : memref<1x128x128xf32, #tpu.memory_space<hbm>> -> memref<128x128xf32, #tpu.memory_space<hbm>>
    tpu.wait_dma2 semaphore(%arg24 : memref<!tpu.dma_semaphore, #tpu.memory_space<semaphore_mem>>) src(%arg12 : memref<128x128xf32, #tpu.memory_space<vmem>>) dst(%dma_wait3A_344 : memref<128x128xf32, #tpu.memory_space<hbm>>)
    %dma_wait3A_345 = arith.constant 1 : i32
    %dma_wait3A_346 = arith.constant 0 : i32
    %dma_wait3A_347 = tpu.memref_slice %arg6[%dma_wait3A_345, %mul3A_291, %dma_wait3A_346] : memref<2x12288x128xf32, #tpu.memory_space<hbm>> -> memref<1x128x128xf32, #tpu.memory_space<hbm>>
    %dma_wait3A_348 = tpu.memref_squeeze %dma_wait3A_347 : memref<1x128x128xf32, #tpu.memory_space<hbm>> -> memref<128x128xf32, #tpu.memory_space<hbm>>
    %dma_wait3A_349 = arith.constant 0 : i32
    %dma_wait3A_350 = tpu.memref_slice %arg6[%dma_wait3A_345, %mul3A_291, %dma_wait3A_349] : memref<2x12288x128xf32, #tpu.memory_space<hbm>> -> memref<1x128x128xf32, #tpu.memory_space<hbm>>
    %dma_wait3A_351 = tpu.memref_squeeze %dma_wait3A_350 : memref<1x128x128xf32, #tpu.memory_space<hbm>> -> memref<128x128xf32, #tpu.memory_space<hbm>>
    tpu.wait_dma2 semaphore(%arg25 : memref<!tpu.dma_semaphore, #tpu.memory_space<semaphore_mem>>) src(%arg13 : memref<128x128xf32, #tpu.memory_space<vmem>>) dst(%dma_wait3A_351 : memref<128x128xf32, #tpu.memory_space<hbm>>)
    %dma_wait3A_352 = arith.constant 1 : i32
    %dma_wait3A_353 = arith.constant 0 : i32
    %dma_wait3A_354 = tpu.memref_slice %arg6[%dma_wait3A_352, %mul3A_309, %dma_wait3A_353] : memref<2x12288x128xf32, #tpu.memory_space<hbm>> -> memref<1x128x128xf32, #tpu.memory_space<hbm>>
    %dma_wait3A_355 = tpu.memref_squeeze %dma_wait3A_354 : memref<1x128x128xf32, #tpu.memory_space<hbm>> -> memref<128x128xf32, #tpu.memory_space<hbm>>
    %dma_wait3A_356 = arith.constant 0 : i32
    %dma_wait3A_357 = tpu.memref_slice %arg6[%dma_wait3A_352, %mul3A_309, %dma_wait3A_356] : memref<2x12288x128xf32, #tpu.memory_space<hbm>> -> memref<1x128x128xf32, #tpu.memory_space<hbm>>
    %dma_wait3A_358 = tpu.memref_squeeze %dma_wait3A_357 : memref<1x128x128xf32, #tpu.memory_space<hbm>> -> memref<128x128xf32, #tpu.memory_space<hbm>>
    tpu.wait_dma2 semaphore(%arg26 : memref<!tpu.dma_semaphore, #tpu.memory_space<semaphore_mem>>) src(%arg14 : memref<128x128xf32, #tpu.memory_space<vmem>>) dst(%dma_wait3A_358 : memref<128x128xf32, #tpu.memory_space<hbm>>)
    return
  }
}

#map = affine_map<(d0, d1) -> (0, 0, 0)>
#map1 = affine_map<(d0, d1) -> (0, 0)>
module attributes {stable_mosaic.version = 14 : i64} {
  func.func @k(%arg0: i32, %arg1: i32, %arg2: memref<4x32x128xi32, #tpu.memory_space<hbm>>, %arg3: memref<4x32x128xi32, #tpu.memory_space<hbm>>, %arg4: memref<100000x128xf32, #tpu.memory_space<hbm>>, %arg5: memref<100000x128xf32, #tpu.memory_space<hbm>>, %arg6: memref<2x4096x128xf32, #tpu.memory_space<hbm>>, %arg7: memref<1x128xi32, #tpu.memory_space<vmem>>, %arg8: memref<1x128xi32, #tpu.memory_space<vmem>>, %arg9: memref<128x128xf32, #tpu.memory_space<vmem>>, %arg10: memref<128x128xf32, #tpu.memory_space<vmem>>, %arg11: memref<!tpu.dma_semaphore, #tpu.memory_space<semaphore_mem>>, %arg12: memref<!tpu.dma_semaphore, #tpu.memory_space<semaphore_mem>>, %arg13: memref<!tpu.dma_semaphore, #tpu.memory_space<semaphore_mem>>, %arg14: memref<!tpu.dma_semaphore, #tpu.memory_space<semaphore_mem>>, %arg15: memref<!tpu.dma_semaphore, #tpu.memory_space<semaphore_mem>>, %arg16: memref<!tpu.dma_semaphore, #tpu.memory_space<semaphore_mem>>) attributes {dimension_semantics = [#tpu.dimension_semantics<core_parallel>, #tpu.dimension_semantics<subcore_parallel>], iteration_bounds = array<i64: 2, 16>, scalar_prefetch = 0 : i64, scratch_operands = 10 : i64, tpu.core_type = #tpu.core_type<sc_vector_subcore>, window_params = [{transform_indices = #map}, {transform_indices = #map}, {transform_indices = #map1}, {transform_indices = #map1}, {transform_indices = #map}]} {
    %mul3A = arith.constant 2 : i32
    %mul3A_0 = arith.muli %arg1, %mul3A : i32
    %add3A = arith.addi %mul3A_0, %arg0 : i32
    %dma_start3A = arith.constant 3 : i32
    %dma_start3A_1 = arith.constant 0 : i32
    %dma_start3A_2 = arith.constant 0 : i32
    %dma_start3A_3 = tpu.memref_slice %arg7[%dma_start3A_1, %dma_start3A_2] : memref<1x128xi32, #tpu.memory_space<vmem>> -> memref<1x128xi32, #tpu.memory_space<vmem>>
    %dma_start3A_4 = tpu.memref_squeeze %dma_start3A_3 : memref<1x128xi32, #tpu.memory_space<vmem>> -> memref<128xi32, #tpu.memory_space<vmem>>
    %dma_start3A_5 = arith.constant 0 : i32
    %dma_start3A_6 = tpu.memref_slice %arg2[%dma_start3A, %add3A, %dma_start3A_5] : memref<4x32x128xi32, #tpu.memory_space<hbm>> -> memref<1x1x128xi32, #tpu.memory_space<hbm>>
    %dma_start3A_7 = tpu.memref_squeeze %dma_start3A_6 : memref<1x1x128xi32, #tpu.memory_space<hbm>> -> memref<128xi32, #tpu.memory_space<hbm>>
    %dma_start3A_8 = arith.constant 0 : i32
    %dma_start3A_9 = tpu.memref_slice %arg7[%dma_start3A_1, %dma_start3A_8] : memref<1x128xi32, #tpu.memory_space<vmem>> -> memref<1x128xi32, #tpu.memory_space<vmem>>
    %dma_start3A_10 = tpu.memref_squeeze %dma_start3A_9 : memref<1x128xi32, #tpu.memory_space<vmem>> -> memref<128xi32, #tpu.memory_space<vmem>>
    %dma_start3A_11 = arith.constant 0 : i32
    %dma_start3A_12 = tpu.memref_slice %arg2[%dma_start3A, %add3A, %dma_start3A_11] : memref<4x32x128xi32, #tpu.memory_space<hbm>> -> memref<1x1x128xi32, #tpu.memory_space<hbm>>
    %dma_start3A_13 = tpu.memref_squeeze %dma_start3A_12 : memref<1x1x128xi32, #tpu.memory_space<hbm>> -> memref<128xi32, #tpu.memory_space<hbm>>
    tpu.enqueue_dma source(%dma_start3A_13 : memref<128xi32, #tpu.memory_space<hbm>>) target(%dma_start3A_10 : memref<128xi32, #tpu.memory_space<vmem>>) target_semaphore(%arg15 : memref<!tpu.dma_semaphore, #tpu.memory_space<semaphore_mem>>)
    %dma_start3A_14 = arith.constant 3 : i32
    %dma_start3A_15 = arith.constant 0 : i32
    %dma_start3A_16 = arith.constant 0 : i32
    %dma_start3A_17 = tpu.memref_slice %arg8[%dma_start3A_15, %dma_start3A_16] : memref<1x128xi32, #tpu.memory_space<vmem>> -> memref<1x128xi32, #tpu.memory_space<vmem>>
    %dma_start3A_18 = tpu.memref_squeeze %dma_start3A_17 : memref<1x128xi32, #tpu.memory_space<vmem>> -> memref<128xi32, #tpu.memory_space<vmem>>
    %dma_start3A_19 = arith.constant 0 : i32
    %dma_start3A_20 = tpu.memref_slice %arg3[%dma_start3A_14, %add3A, %dma_start3A_19] : memref<4x32x128xi32, #tpu.memory_space<hbm>> -> memref<1x1x128xi32, #tpu.memory_space<hbm>>
    %dma_start3A_21 = tpu.memref_squeeze %dma_start3A_20 : memref<1x1x128xi32, #tpu.memory_space<hbm>> -> memref<128xi32, #tpu.memory_space<hbm>>
    %dma_start3A_22 = arith.constant 0 : i32
    %dma_start3A_23 = tpu.memref_slice %arg8[%dma_start3A_15, %dma_start3A_22] : memref<1x128xi32, #tpu.memory_space<vmem>> -> memref<1x128xi32, #tpu.memory_space<vmem>>
    %dma_start3A_24 = tpu.memref_squeeze %dma_start3A_23 : memref<1x128xi32, #tpu.memory_space<vmem>> -> memref<128xi32, #tpu.memory_space<vmem>>
    %dma_start3A_25 = arith.constant 0 : i32
    %dma_start3A_26 = tpu.memref_slice %arg3[%dma_start3A_14, %add3A, %dma_start3A_25] : memref<4x32x128xi32, #tpu.memory_space<hbm>> -> memref<1x1x128xi32, #tpu.memory_space<hbm>>
    %dma_start3A_27 = tpu.memref_squeeze %dma_start3A_26 : memref<1x1x128xi32, #tpu.memory_space<hbm>> -> memref<128xi32, #tpu.memory_space<hbm>>
    tpu.enqueue_dma source(%dma_start3A_27 : memref<128xi32, #tpu.memory_space<hbm>>) target(%dma_start3A_24 : memref<128xi32, #tpu.memory_space<vmem>>) target_semaphore(%arg16 : memref<!tpu.dma_semaphore, #tpu.memory_space<semaphore_mem>>)
    %dma_wait3A = arith.constant 3 : i32
    %dma_wait3A_28 = arith.constant 0 : i32
    %dma_wait3A_29 = arith.constant 0 : i32
    %dma_wait3A_30 = tpu.memref_slice %arg7[%dma_wait3A_28, %dma_wait3A_29] : memref<1x128xi32, #tpu.memory_space<vmem>> -> memref<1x128xi32, #tpu.memory_space<vmem>>
    %dma_wait3A_31 = tpu.memref_squeeze %dma_wait3A_30 : memref<1x128xi32, #tpu.memory_space<vmem>> -> memref<128xi32, #tpu.memory_space<vmem>>
    %dma_wait3A_32 = arith.constant 0 : i32
    %dma_wait3A_33 = tpu.memref_slice %arg2[%dma_wait3A, %add3A, %dma_wait3A_32] : memref<4x32x128xi32, #tpu.memory_space<hbm>> -> memref<1x1x128xi32, #tpu.memory_space<hbm>>
    %dma_wait3A_34 = tpu.memref_squeeze %dma_wait3A_33 : memref<1x1x128xi32, #tpu.memory_space<hbm>> -> memref<128xi32, #tpu.memory_space<hbm>>
    %dma_wait3A_35 = arith.constant 0 : i32
    %dma_wait3A_36 = tpu.memref_slice %arg7[%dma_wait3A_28, %dma_wait3A_35] : memref<1x128xi32, #tpu.memory_space<vmem>> -> memref<1x128xi32, #tpu.memory_space<vmem>>
    %dma_wait3A_37 = tpu.memref_squeeze %dma_wait3A_36 : memref<1x128xi32, #tpu.memory_space<vmem>> -> memref<128xi32, #tpu.memory_space<vmem>>
    %dma_wait3A_38 = arith.constant 0 : i32
    %dma_wait3A_39 = tpu.memref_slice %arg2[%dma_wait3A, %add3A, %dma_wait3A_38] : memref<4x32x128xi32, #tpu.memory_space<hbm>> -> memref<1x1x128xi32, #tpu.memory_space<hbm>>
    %dma_wait3A_40 = tpu.memref_squeeze %dma_wait3A_39 : memref<1x1x128xi32, #tpu.memory_space<hbm>> -> memref<128xi32, #tpu.memory_space<hbm>>
    tpu.wait_dma2 semaphore(%arg15 : memref<!tpu.dma_semaphore, #tpu.memory_space<semaphore_mem>>) src(%dma_wait3A_40 : memref<128xi32, #tpu.memory_space<hbm>>) dst(%dma_wait3A_37 : memref<128xi32, #tpu.memory_space<vmem>>)
    %dma_wait3A_41 = arith.constant 3 : i32
    %dma_wait3A_42 = arith.constant 0 : i32
    %dma_wait3A_43 = arith.constant 0 : i32
    %dma_wait3A_44 = tpu.memref_slice %arg8[%dma_wait3A_42, %dma_wait3A_43] : memref<1x128xi32, #tpu.memory_space<vmem>> -> memref<1x128xi32, #tpu.memory_space<vmem>>
    %dma_wait3A_45 = tpu.memref_squeeze %dma_wait3A_44 : memref<1x128xi32, #tpu.memory_space<vmem>> -> memref<128xi32, #tpu.memory_space<vmem>>
    %dma_wait3A_46 = arith.constant 0 : i32
    %dma_wait3A_47 = tpu.memref_slice %arg3[%dma_wait3A_41, %add3A, %dma_wait3A_46] : memref<4x32x128xi32, #tpu.memory_space<hbm>> -> memref<1x1x128xi32, #tpu.memory_space<hbm>>
    %dma_wait3A_48 = tpu.memref_squeeze %dma_wait3A_47 : memref<1x1x128xi32, #tpu.memory_space<hbm>> -> memref<128xi32, #tpu.memory_space<hbm>>
    %dma_wait3A_49 = arith.constant 0 : i32
    %dma_wait3A_50 = tpu.memref_slice %arg8[%dma_wait3A_42, %dma_wait3A_49] : memref<1x128xi32, #tpu.memory_space<vmem>> -> memref<1x128xi32, #tpu.memory_space<vmem>>
    %dma_wait3A_51 = tpu.memref_squeeze %dma_wait3A_50 : memref<1x128xi32, #tpu.memory_space<vmem>> -> memref<128xi32, #tpu.memory_space<vmem>>
    %dma_wait3A_52 = arith.constant 0 : i32
    %dma_wait3A_53 = tpu.memref_slice %arg3[%dma_wait3A_41, %add3A, %dma_wait3A_52] : memref<4x32x128xi32, #tpu.memory_space<hbm>> -> memref<1x1x128xi32, #tpu.memory_space<hbm>>
    %dma_wait3A_54 = tpu.memref_squeeze %dma_wait3A_53 : memref<1x1x128xi32, #tpu.memory_space<hbm>> -> memref<128xi32, #tpu.memory_space<hbm>>
    tpu.wait_dma2 semaphore(%arg16 : memref<!tpu.dma_semaphore, #tpu.memory_space<semaphore_mem>>) src(%dma_wait3A_54 : memref<128xi32, #tpu.memory_space<hbm>>) dst(%dma_wait3A_51 : memref<128xi32, #tpu.memory_space<vmem>>)
    %dma_start3A_55 = arith.constant 0 : i32
    %dma_start3A_56 = arith.constant 0 : i32
    %dma_start3A_57 = tpu.memref_slice %arg7[%dma_start3A_55, %dma_start3A_56] : memref<1x128xi32, #tpu.memory_space<vmem>> -> memref<1x128xi32, #tpu.memory_space<vmem>>
    %dma_start3A_58 = tpu.memref_squeeze %dma_start3A_57 : memref<1x128xi32, #tpu.memory_space<vmem>> -> memref<128xi32, #tpu.memory_space<vmem>>
    %dma_start3A_59 = arith.constant 0 : i32
    %dma_start3A_60 = arith.constant 0 : i32
    %dma_start3A_61 = tpu.memref_slice %arg4[%dma_start3A_59, %dma_start3A_60] : memref<100000x128xf32, #tpu.memory_space<hbm>> -> memref<100000x128xf32, #tpu.memory_space<hbm>>
    tpu.enqueue_indirect_dma source(%dma_start3A_61 : memref<100000x128xf32, #tpu.memory_space<hbm>>) target(%arg9 : memref<128x128xf32, #tpu.memory_space<vmem>>) offsets(%dma_start3A_58 : memref<128xi32, #tpu.memory_space<vmem>>) semaphore(%arg11 : memref<!tpu.dma_semaphore, #tpu.memory_space<semaphore_mem>>)
    %dma_start3A_62 = arith.constant 0 : i32
    %dma_start3A_63 = arith.constant 0 : i32
    %dma_start3A_64 = tpu.memref_slice %arg8[%dma_start3A_62, %dma_start3A_63] : memref<1x128xi32, #tpu.memory_space<vmem>> -> memref<1x128xi32, #tpu.memory_space<vmem>>
    %dma_start3A_65 = tpu.memref_squeeze %dma_start3A_64 : memref<1x128xi32, #tpu.memory_space<vmem>> -> memref<128xi32, #tpu.memory_space<vmem>>
    %dma_start3A_66 = arith.constant 0 : i32
    %dma_start3A_67 = arith.constant 0 : i32
    %dma_start3A_68 = tpu.memref_slice %arg5[%dma_start3A_66, %dma_start3A_67] : memref<100000x128xf32, #tpu.memory_space<hbm>> -> memref<100000x128xf32, #tpu.memory_space<hbm>>
    tpu.enqueue_indirect_dma source(%dma_start3A_68 : memref<100000x128xf32, #tpu.memory_space<hbm>>) target(%arg10 : memref<128x128xf32, #tpu.memory_space<vmem>>) offsets(%dma_start3A_65 : memref<128xi32, #tpu.memory_space<vmem>>) semaphore(%arg12 : memref<!tpu.dma_semaphore, #tpu.memory_space<semaphore_mem>>)
    %dma_wait3A_69 = arith.constant 0 : i32
    %dma_wait3A_70 = arith.constant 0 : i32
    %dma_wait3A_71 = tpu.memref_slice %arg7[%dma_wait3A_69, %dma_wait3A_70] : memref<1x128xi32, #tpu.memory_space<vmem>> -> memref<1x128xi32, #tpu.memory_space<vmem>>
    %dma_wait3A_72 = tpu.memref_squeeze %dma_wait3A_71 : memref<1x128xi32, #tpu.memory_space<vmem>> -> memref<128xi32, #tpu.memory_space<vmem>>
    %dma_wait3A_73 = arith.constant 0 : i32
    %dma_wait3A_74 = arith.constant 0 : i32
    %dma_wait3A_75 = tpu.memref_slice %arg4[%dma_wait3A_73, %dma_wait3A_74] : memref<100000x128xf32, #tpu.memory_space<hbm>> -> memref<100000x128xf32, #tpu.memory_space<hbm>>
    tpu.wait_indirect_dma semaphore(%arg11 : memref<!tpu.dma_semaphore, #tpu.memory_space<semaphore_mem>>) src(%dma_wait3A_75 : memref<100000x128xf32, #tpu.memory_space<hbm>>) dst(%arg9 : memref<128x128xf32, #tpu.memory_space<vmem>>)
    %add3A_76 = arith.constant 0 : i32
    %add3A_77 = arith.addi %add3A_76, %add3A : i32
    %mul3A_78 = arith.constant 128 : i32
    %mul3A_79 = arith.muli %add3A_77, %mul3A_78 : i32
    %dma_start3A_80 = arith.constant 0 : i32
    %dma_start3A_81 = arith.constant 0 : i32
    %dma_start3A_82 = tpu.memref_slice %arg6[%dma_start3A_80, %mul3A_79, %dma_start3A_81] : memref<2x4096x128xf32, #tpu.memory_space<hbm>> -> memref<1x128x128xf32, #tpu.memory_space<hbm>>
    %dma_start3A_83 = tpu.memref_squeeze %dma_start3A_82 : memref<1x128x128xf32, #tpu.memory_space<hbm>> -> memref<128x128xf32, #tpu.memory_space<hbm>>
    %dma_start3A_84 = arith.constant 0 : i32
    %dma_start3A_85 = tpu.memref_slice %arg6[%dma_start3A_80, %mul3A_79, %dma_start3A_84] : memref<2x4096x128xf32, #tpu.memory_space<hbm>> -> memref<1x128x128xf32, #tpu.memory_space<hbm>>
    %dma_start3A_86 = tpu.memref_squeeze %dma_start3A_85 : memref<1x128x128xf32, #tpu.memory_space<hbm>> -> memref<128x128xf32, #tpu.memory_space<hbm>>
    tpu.enqueue_dma source(%arg9 : memref<128x128xf32, #tpu.memory_space<vmem>>) target(%dma_start3A_86 : memref<128x128xf32, #tpu.memory_space<hbm>>) target_semaphore(%arg13 : memref<!tpu.dma_semaphore, #tpu.memory_space<semaphore_mem>>)
    %dma_wait3A_87 = arith.constant 0 : i32
    %dma_wait3A_88 = arith.constant 0 : i32
    %dma_wait3A_89 = tpu.memref_slice %arg8[%dma_wait3A_87, %dma_wait3A_88] : memref<1x128xi32, #tpu.memory_space<vmem>> -> memref<1x128xi32, #tpu.memory_space<vmem>>
    %dma_wait3A_90 = tpu.memref_squeeze %dma_wait3A_89 : memref<1x128xi32, #tpu.memory_space<vmem>> -> memref<128xi32, #tpu.memory_space<vmem>>
    %dma_wait3A_91 = arith.constant 0 : i32
    %dma_wait3A_92 = arith.constant 0 : i32
    %dma_wait3A_93 = tpu.memref_slice %arg5[%dma_wait3A_91, %dma_wait3A_92] : memref<100000x128xf32, #tpu.memory_space<hbm>> -> memref<100000x128xf32, #tpu.memory_space<hbm>>
    tpu.wait_indirect_dma semaphore(%arg12 : memref<!tpu.dma_semaphore, #tpu.memory_space<semaphore_mem>>) src(%dma_wait3A_93 : memref<100000x128xf32, #tpu.memory_space<hbm>>) dst(%arg10 : memref<128x128xf32, #tpu.memory_space<vmem>>)
    %add3A_94 = arith.constant 0 : i32
    %add3A_95 = arith.addi %add3A_94, %add3A : i32
    %mul3A_96 = arith.constant 128 : i32
    %mul3A_97 = arith.muli %add3A_95, %mul3A_96 : i32
    %dma_start3A_98 = arith.constant 1 : i32
    %dma_start3A_99 = arith.constant 0 : i32
    %dma_start3A_100 = tpu.memref_slice %arg6[%dma_start3A_98, %mul3A_97, %dma_start3A_99] : memref<2x4096x128xf32, #tpu.memory_space<hbm>> -> memref<1x128x128xf32, #tpu.memory_space<hbm>>
    %dma_start3A_101 = tpu.memref_squeeze %dma_start3A_100 : memref<1x128x128xf32, #tpu.memory_space<hbm>> -> memref<128x128xf32, #tpu.memory_space<hbm>>
    %dma_start3A_102 = arith.constant 0 : i32
    %dma_start3A_103 = tpu.memref_slice %arg6[%dma_start3A_98, %mul3A_97, %dma_start3A_102] : memref<2x4096x128xf32, #tpu.memory_space<hbm>> -> memref<1x128x128xf32, #tpu.memory_space<hbm>>
    %dma_start3A_104 = tpu.memref_squeeze %dma_start3A_103 : memref<1x128x128xf32, #tpu.memory_space<hbm>> -> memref<128x128xf32, #tpu.memory_space<hbm>>
    tpu.enqueue_dma source(%arg10 : memref<128x128xf32, #tpu.memory_space<vmem>>) target(%dma_start3A_104 : memref<128x128xf32, #tpu.memory_space<hbm>>) target_semaphore(%arg14 : memref<!tpu.dma_semaphore, #tpu.memory_space<semaphore_mem>>)
    %dma_wait3A_105 = arith.constant 0 : i32
    %dma_wait3A_106 = arith.constant 0 : i32
    %dma_wait3A_107 = tpu.memref_slice %arg6[%dma_wait3A_105, %mul3A_79, %dma_wait3A_106] : memref<2x4096x128xf32, #tpu.memory_space<hbm>> -> memref<1x128x128xf32, #tpu.memory_space<hbm>>
    %dma_wait3A_108 = tpu.memref_squeeze %dma_wait3A_107 : memref<1x128x128xf32, #tpu.memory_space<hbm>> -> memref<128x128xf32, #tpu.memory_space<hbm>>
    %dma_wait3A_109 = arith.constant 0 : i32
    %dma_wait3A_110 = tpu.memref_slice %arg6[%dma_wait3A_105, %mul3A_79, %dma_wait3A_109] : memref<2x4096x128xf32, #tpu.memory_space<hbm>> -> memref<1x128x128xf32, #tpu.memory_space<hbm>>
    %dma_wait3A_111 = tpu.memref_squeeze %dma_wait3A_110 : memref<1x128x128xf32, #tpu.memory_space<hbm>> -> memref<128x128xf32, #tpu.memory_space<hbm>>
    tpu.wait_dma2 semaphore(%arg13 : memref<!tpu.dma_semaphore, #tpu.memory_space<semaphore_mem>>) src(%arg9 : memref<128x128xf32, #tpu.memory_space<vmem>>) dst(%dma_wait3A_111 : memref<128x128xf32, #tpu.memory_space<hbm>>)
    %dma_wait3A_112 = arith.constant 1 : i32
    %dma_wait3A_113 = arith.constant 0 : i32
    %dma_wait3A_114 = tpu.memref_slice %arg6[%dma_wait3A_112, %mul3A_97, %dma_wait3A_113] : memref<2x4096x128xf32, #tpu.memory_space<hbm>> -> memref<1x128x128xf32, #tpu.memory_space<hbm>>
    %dma_wait3A_115 = tpu.memref_squeeze %dma_wait3A_114 : memref<1x128x128xf32, #tpu.memory_space<hbm>> -> memref<128x128xf32, #tpu.memory_space<hbm>>
    %dma_wait3A_116 = arith.constant 0 : i32
    %dma_wait3A_117 = tpu.memref_slice %arg6[%dma_wait3A_112, %mul3A_97, %dma_wait3A_116] : memref<2x4096x128xf32, #tpu.memory_space<hbm>> -> memref<1x128x128xf32, #tpu.memory_space<hbm>>
    %dma_wait3A_118 = tpu.memref_squeeze %dma_wait3A_117 : memref<1x128x128xf32, #tpu.memory_space<hbm>> -> memref<128x128xf32, #tpu.memory_space<hbm>>
    tpu.wait_dma2 semaphore(%arg14 : memref<!tpu.dma_semaphore, #tpu.memory_space<semaphore_mem>>) src(%arg10 : memref<128x128xf32, #tpu.memory_space<vmem>>) dst(%dma_wait3A_118 : memref<128x128xf32, #tpu.memory_space<hbm>>)
    return
  }
}

module attributes {stable_mosaic.version = 14 : i64} {
  func.func @body(%arg0: i32, %arg1: memref<2x2048x128xf32, #tpu.memory_space<vmem>>, %arg2: memref<128x128xf32, #tpu.memory_space<vmem>>, %arg3: memref<1x128xf32, #tpu.memory_space<vmem>>, %arg4: memref<128x128xf32, #tpu.memory_space<vmem>>, %arg5: memref<1x128xf32, #tpu.memory_space<vmem>>, %arg6: memref<16384x128xf32, #tpu.memory_space<hbm>>, %arg7: memref<16384x128xf32, #tpu.memory_space<hbm>>, %arg8: memref<2048x128xf32, #tpu.memory_space<vmem>>, %arg9: memref<2048x128xf32, #tpu.memory_space<vmem>>) attributes {dimension_semantics = [#tpu.dimension_semantics<arbitrary>], iteration_bounds = array<i64: 2>, scalar_prefetch = 0 : i64, scratch_operands = 0 : i64, tpu.core_type = #tpu.core_type<tc>, window_params = [{transform_indices = @transform_0, window_bounds = array<i64: 2, 2048, 128>}, {pipeline_mode = #tpu.pipeline_mode<synchronous>, transform_indices = @transform_1, window_bounds = array<i64: 128, 128>}, {pipeline_mode = #tpu.pipeline_mode<synchronous>, transform_indices = @transform_2, window_bounds = array<i64: 1, 128>}, {pipeline_mode = #tpu.pipeline_mode<synchronous>, transform_indices = @transform_3, window_bounds = array<i64: 128, 128>}, {pipeline_mode = #tpu.pipeline_mode<synchronous>, transform_indices = @transform_4, window_bounds = array<i64: 1, 128>}, {}, {}, {transform_indices = @transform_7, window_bounds = array<i64: 2048, 128>}, {transform_indices = @transform_8, window_bounds = array<i64: 2048, 128>}]} {
    %get3A = arith.constant 0 : index
    %get3A_0 = arith.constant 0 : index
    %get3A_1 = arith.constant 0 : index
    %get3A_2 = vector.load %arg1[%get3A, %get3A_0, %get3A_1] : memref<2x2048x128xf32, #tpu.memory_space<vmem>>, vector<1x2048x128xf32>
    %get3A_3 = vector.shape_cast %get3A_2 : vector<1x2048x128xf32> to vector<2048x128xf32>
    %get3A_4 = arith.constant 0 : index
    %get3A_5 = arith.constant 0 : index
    %get3A_6 = vector.load %arg2[%get3A_4, %get3A_5] : memref<128x128xf32, #tpu.memory_space<vmem>>, vector<128x128xf32>
    %dot_general3A = arith.constant dense<0.000000e+00> : vector<2048x128xf32>
    %dot_general3A_7 = tpu.matmul %get3A_3, %get3A_6, %dot_general3A {dimension_numbers = #tpu.dot_dimension_numbers<[1], [1], [0], [0], [0, 0, 1, 0], [], []>, transpose_lhs_hint = false} : vector<2048x128xf32>, vector<128x128xf32>, vector<2048x128xf32> -> vector<2048x128xf32>
    %get3A_8 = arith.constant 0 : index
    %get3A_9 = arith.constant 0 : index
    %get3A_10 = vector.load %arg3[%get3A_8, %get3A_9] : memref<1x128xf32, #tpu.memory_space<vmem>>, vector<1x128xf32>
    %add3A = vector.broadcast %get3A_10 : vector<1x128xf32> to vector<2048x128xf32>
    %add3A_11 = arith.addf %dot_general3A_7, %add3A : vector<2048x128xf32>
    %swap3A = arith.constant 0 : index
    %swap3A_12 = arith.constant 0 : index
    %swap3A_13 = vector.load %arg8[%swap3A, %swap3A_12] : memref<2048x128xf32, #tpu.memory_space<vmem>>, vector<2048x128xf32>
    tpu.vector_store %arg8[%swap3A, %swap3A_12], %add3A_11 {strides = array<i32>} : memref<2048x128xf32, #tpu.memory_space<vmem>>, vector<2048x128xf32>,
    %get3A_14 = arith.constant 1 : index
    %get3A_15 = arith.constant 0 : index
    %get3A_16 = arith.constant 0 : index
    %get3A_17 = vector.load %arg1[%get3A_14, %get3A_15, %get3A_16] : memref<2x2048x128xf32, #tpu.memory_space<vmem>>, vector<1x2048x128xf32>
    %get3A_18 = vector.shape_cast %get3A_17 : vector<1x2048x128xf32> to vector<2048x128xf32>
    %get3A_19 = arith.constant 0 : index
    %get3A_20 = arith.constant 0 : index
    %get3A_21 = vector.load %arg4[%get3A_19, %get3A_20] : memref<128x128xf32, #tpu.memory_space<vmem>>, vector<128x128xf32>
    %dot_general3A_22 = arith.constant dense<0.000000e+00> : vector<2048x128xf32>
    %dot_general3A_23 = tpu.matmul %get3A_18, %get3A_21, %dot_general3A_22 {dimension_numbers = #tpu.dot_dimension_numbers<[1], [1], [0], [0], [0, 0, 1, 0], [], []>, transpose_lhs_hint = false} : vector<2048x128xf32>, vector<128x128xf32>, vector<2048x128xf32> -> vector<2048x128xf32>
    %get3A_24 = arith.constant 0 : index
    %get3A_25 = arith.constant 0 : index
    %get3A_26 = vector.load %arg5[%get3A_24, %get3A_25] : memref<1x128xf32, #tpu.memory_space<vmem>>, vector<1x128xf32>
    %add3A_27 = vector.broadcast %get3A_26 : vector<1x128xf32> to vector<2048x128xf32>
    %add3A_28 = arith.addf %dot_general3A_23, %add3A_27 : vector<2048x128xf32>
    %swap3A_29 = arith.constant 0 : index
    %swap3A_30 = arith.constant 0 : index
    %swap3A_31 = vector.load %arg9[%swap3A_29, %swap3A_30] : memref<2048x128xf32, #tpu.memory_space<vmem>>, vector<2048x128xf32>
    tpu.vector_store %arg9[%swap3A_29, %swap3A_30], %add3A_28 {strides = array<i32>} : memref<2048x128xf32, #tpu.memory_space<vmem>>, vector<2048x128xf32>,
    return
  }
  func.func @transform_0(%arg0: i32) -> (i32, i32, i32) {
    %c0_i32 = arith.constant 0 : i32
    %c0_i32_0 = arith.constant 0 : i32
    %c0_i32_1 = arith.constant 0 : i32
    return %c0_i32, %arg0, %c0_i32_0 : i32, i32, i32
  }
  func.func @transform_1(%arg0: i32) -> (i32, i32) {
    %c0_i32 = arith.constant 0 : i32
    %c0_i32_0 = arith.constant 0 : i32
    %c0_i32_1 = arith.constant 0 : i32
    return %c0_i32, %c0_i32_0 : i32, i32
  }
  func.func @transform_2(%arg0: i32) -> (i32, i32) {
    %c0_i32 = arith.constant 0 : i32
    %c0_i32_0 = arith.constant 0 : i32
    %c0_i32_1 = arith.constant 0 : i32
    return %c0_i32, %c0_i32_0 : i32, i32
  }
  func.func @transform_3(%arg0: i32) -> (i32, i32) {
    %c0_i32 = arith.constant 0 : i32
    %c0_i32_0 = arith.constant 0 : i32
    %c0_i32_1 = arith.constant 0 : i32
    return %c0_i32, %c0_i32_0 : i32, i32
  }
  func.func @transform_4(%arg0: i32) -> (i32, i32) {
    %c0_i32 = arith.constant 0 : i32
    %c0_i32_0 = arith.constant 0 : i32
    %c0_i32_1 = arith.constant 0 : i32
    return %c0_i32, %c0_i32_0 : i32, i32
  }
  func.func @transform_7(%arg0: i32) -> (i32, i32) {
    %add3A = arith.constant 6 : i32
    %add3A_0 = arith.addi %add3A, %arg0 : i32
    %c0_i32 = arith.constant 0 : i32
    %c0_i32_1 = arith.constant 0 : i32
    return %add3A_0, %c0_i32 : i32, i32
  }
  func.func @transform_8(%arg0: i32) -> (i32, i32) {
    %add3A = arith.constant 6 : i32
    %add3A_0 = arith.addi %add3A, %arg0 : i32
    %c0_i32 = arith.constant 0 : i32
    %c0_i32_1 = arith.constant 0 : i32
    return %add3A_0, %c0_i32 : i32, i32
  }
}

module attributes {stable_mosaic.version = 14 : i64} {
  func.func @body(%arg0: i32, %arg1: memref<2x2048x128xf32, #tpu.memory_space<vmem>>, %arg2: memref<128x128xf32, #tpu.memory_space<vmem>>, %arg3: memref<1x128xf32, #tpu.memory_space<vmem>>, %arg4: memref<128x128xf32, #tpu.memory_space<vmem>>, %arg5: memref<1x128xf32, #tpu.memory_space<vmem>>, %arg6: memref<2048x128xf32, #tpu.memory_space<vmem>>, %arg7: memref<2048x128xf32, #tpu.memory_space<vmem>>) attributes {dimension_semantics = [#tpu.dimension_semantics<arbitrary>], iteration_bounds = array<i64: 6>, scalar_prefetch = 0 : i64, scratch_operands = 0 : i64, tpu.core_type = #tpu.core_type<tc>, window_params = [{transform_indices = @transform_0, window_bounds = array<i64: 2, 2048, 128>}, {pipeline_mode = #tpu.pipeline_mode<synchronous>, transform_indices = @transform_1, window_bounds = array<i64: 128, 128>}, {pipeline_mode = #tpu.pipeline_mode<synchronous>, transform_indices = @transform_2, window_bounds = array<i64: 1, 128>}, {pipeline_mode = #tpu.pipeline_mode<synchronous>, transform_indices = @transform_3, window_bounds = array<i64: 128, 128>}, {pipeline_mode = #tpu.pipeline_mode<synchronous>, transform_indices = @transform_4, window_bounds = array<i64: 1, 128>}, {transform_indices = @transform_5, window_bounds = array<i64: 2048, 128>}, {transform_indices = @transform_6, window_bounds = array<i64: 2048, 128>}]} {
    %get3A = arith.constant 0 : index
    %get3A_0 = arith.constant 0 : index
    %get3A_1 = arith.constant 0 : index
    %get3A_2 = vector.load %arg1[%get3A, %get3A_0, %get3A_1] : memref<2x2048x128xf32, #tpu.memory_space<vmem>>, vector<1x2048x128xf32>
    %get3A_3 = vector.shape_cast %get3A_2 : vector<1x2048x128xf32> to vector<2048x128xf32>
    %get3A_4 = arith.constant 0 : index
    %get3A_5 = arith.constant 0 : index
    %get3A_6 = vector.load %arg2[%get3A_4, %get3A_5] : memref<128x128xf32, #tpu.memory_space<vmem>>, vector<128x128xf32>
    %dot_general3A = arith.constant dense<0.000000e+00> : vector<2048x128xf32>
    %dot_general3A_7 = tpu.matmul %get3A_3, %get3A_6, %dot_general3A {dimension_numbers = #tpu.dot_dimension_numbers<[1], [1], [0], [0], [0, 0, 1, 0], [], []>, transpose_lhs_hint = false} : vector<2048x128xf32>, vector<128x128xf32>, vector<2048x128xf32> -> vector<2048x128xf32>
    %get3A_8 = arith.constant 0 : index
    %get3A_9 = arith.constant 0 : index
    %get3A_10 = vector.load %arg3[%get3A_8, %get3A_9] : memref<1x128xf32, #tpu.memory_space<vmem>>, vector<1x128xf32>
    %add3A = vector.broadcast %get3A_10 : vector<1x128xf32> to vector<2048x128xf32>
    %add3A_11 = arith.addf %dot_general3A_7, %add3A : vector<2048x128xf32>
    %swap3A = arith.constant 0 : index
    %swap3A_12 = arith.constant 0 : index
    %swap3A_13 = vector.load %arg6[%swap3A, %swap3A_12] : memref<2048x128xf32, #tpu.memory_space<vmem>>, vector<2048x128xf32>
    tpu.vector_store %arg6[%swap3A, %swap3A_12], %add3A_11 {strides = array<i32>} : memref<2048x128xf32, #tpu.memory_space<vmem>>, vector<2048x128xf32>,
    %get3A_14 = arith.constant 1 : index
    %get3A_15 = arith.constant 0 : index
    %get3A_16 = arith.constant 0 : index
    %get3A_17 = vector.load %arg1[%get3A_14, %get3A_15, %get3A_16] : memref<2x2048x128xf32, #tpu.memory_space<vmem>>, vector<1x2048x128xf32>
    %get3A_18 = vector.shape_cast %get3A_17 : vector<1x2048x128xf32> to vector<2048x128xf32>
    %get3A_19 = arith.constant 0 : index
    %get3A_20 = arith.constant 0 : index
    %get3A_21 = vector.load %arg4[%get3A_19, %get3A_20] : memref<128x128xf32, #tpu.memory_space<vmem>>, vector<128x128xf32>
    %dot_general3A_22 = arith.constant dense<0.000000e+00> : vector<2048x128xf32>
    %dot_general3A_23 = tpu.matmul %get3A_18, %get3A_21, %dot_general3A_22 {dimension_numbers = #tpu.dot_dimension_numbers<[1], [1], [0], [0], [0, 0, 1, 0], [], []>, transpose_lhs_hint = false} : vector<2048x128xf32>, vector<128x128xf32>, vector<2048x128xf32> -> vector<2048x128xf32>
    %get3A_24 = arith.constant 0 : index
    %get3A_25 = arith.constant 0 : index
    %get3A_26 = vector.load %arg5[%get3A_24, %get3A_25] : memref<1x128xf32, #tpu.memory_space<vmem>>, vector<1x128xf32>
    %add3A_27 = vector.broadcast %get3A_26 : vector<1x128xf32> to vector<2048x128xf32>
    %add3A_28 = arith.addf %dot_general3A_23, %add3A_27 : vector<2048x128xf32>
    %swap3A_29 = arith.constant 0 : index
    %swap3A_30 = arith.constant 0 : index
    %swap3A_31 = vector.load %arg7[%swap3A_29, %swap3A_30] : memref<2048x128xf32, #tpu.memory_space<vmem>>, vector<2048x128xf32>
    tpu.vector_store %arg7[%swap3A_29, %swap3A_30], %add3A_28 {strides = array<i32>} : memref<2048x128xf32, #tpu.memory_space<vmem>>, vector<2048x128xf32>,
    return
  }
  func.func @transform_0(%arg0: i32) -> (i32, i32, i32) {
    %c0_i32 = arith.constant 0 : i32
    %c0_i32_0 = arith.constant 0 : i32
    %c0_i32_1 = arith.constant 0 : i32
    return %c0_i32, %arg0, %c0_i32_0 : i32, i32, i32
  }
  func.func @transform_1(%arg0: i32) -> (i32, i32) {
    %c0_i32 = arith.constant 0 : i32
    %c0_i32_0 = arith.constant 0 : i32
    %c0_i32_1 = arith.constant 0 : i32
    return %c0_i32, %c0_i32_0 : i32, i32
  }
  func.func @transform_2(%arg0: i32) -> (i32, i32) {
    %c0_i32 = arith.constant 0 : i32
    %c0_i32_0 = arith.constant 0 : i32
    %c0_i32_1 = arith.constant 0 : i32
    return %c0_i32, %c0_i32_0 : i32, i32
  }
  func.func @transform_3(%arg0: i32) -> (i32, i32) {
    %c0_i32 = arith.constant 0 : i32
    %c0_i32_0 = arith.constant 0 : i32
    %c0_i32_1 = arith.constant 0 : i32
    return %c0_i32, %c0_i32_0 : i32, i32
  }
  func.func @transform_4(%arg0: i32) -> (i32, i32) {
    %c0_i32 = arith.constant 0 : i32
    %c0_i32_0 = arith.constant 0 : i32
    %c0_i32_1 = arith.constant 0 : i32
    return %c0_i32, %c0_i32_0 : i32, i32
  }
  func.func @transform_5(%arg0: i32) -> (i32, i32) {
    %add3A = arith.constant 0 : i32
    %add3A_0 = arith.addi %add3A, %arg0 : i32
    %c0_i32 = arith.constant 0 : i32
    %c0_i32_1 = arith.constant 0 : i32
    return %add3A_0, %c0_i32 : i32, i32
  }
  func.func @transform_6(%arg0: i32) -> (i32, i32) {
    %add3A = arith.constant 0 : i32
    %add3A_0 = arith.addi %add3A, %arg0 : i32
    %c0_i32 = arith.constant 0 : i32
    %c0_i32_1 = arith.constant 0 : i32
    return %add3A_0, %c0_i32 : i32, i32
  }
}

</mosaic_0001>

<sc_bundles>
// kernel: kernel.6.cloned.1.call-start
scs
__scs_entry_jumppad:
0x0: {  	(pc) =	sbr.rel $0x88, $3  }
0x1: {  	(tag) =	ssettag $0x0;
	lr =	simm.s32 $0x1  }
0x2: {  	[smem:$0x3F99] =	sst lr;
	_ =	strace $0xD0000000  }
0x3: {  	_ = 	snop  }
0x4: {  	_ = 	snop  }
0x5: {  	_ = 	snop  }
0x6: {  	_ = 	snop  }
0x7: {  	_ = 	snop  }
__scs_overlays_trampoline_lowered:
0x8: {  	[smem:$0x3FA8] =	sst s0  }
0x9: {  	[smem:$0x3FA9] =	sst s1  }
0xa: {  	[smem:$0x3FAA] =	sst s2  }
0xb: {  	[smem:$0x3FAB] =	sst s3  }
0xc: {  	[smem:$0x3FAC] =	sst s4  }
0xd: {  	[smem:$0x3FAD] =	sst s5  }
0xe: {  	[smem:$0x3FAE] =	sst s6  }
0xf: {  	[smem:$0x3FAF] =	sst s7  }
0x10: {  	[smem:$0x3FB0] =	sst s8  }
0x11: {  	[smem:$0x3FB1] =	sst s9;
	s0 =	simm.s32 @!p0 $0x0  }
0x12: {  	s1 =	sld [smem:$0x3F97];
	s0 =	simm.s32 @p0 $0x1  }
0x13: {  	[smem:$0x3FB2] =	sst s0;
	s0 =	simm.s32 @!p1 $0x0  }
0x14: {  	s2 =	sld [smem:$0x3F96];
	s0 =	simm.s32 @p1 $0x1  }
0x15: {  	[smem:$0x3FB3] =	sst s0;
	s0 =	simm.s32 @!p2 $0x0  }
0x16: {  	s3 =	sld [smem:$0x3FDB];
	s0 =	simm.s32 @p2 $0x1  }
0x17: {  	s4 =	simm.s32 $0x1BF5;
	[smem:$0x3FB5] =	sst s0  }
0x18: {  	s0 =	sld [smem:$0x3F98];
	_ =	swait.ge [sflag:s4], $0x0  }
0x19: {  	s7 =	sld [smem:$0x3F99]  }
0x1a: {  	s8 =	sadd.s32 $0xFFFFE003, lr  }
0x1b: {  	s9 =	sadd.s32 $0xFFFFFEF7, lr;
	s5 =	simm.s32 $0xFFFFFFFF;
	p2 =	slt.u32 s8, $0xFFFFF086  }
0x1c: {  	p1 =	slt.u32 s9, $0xF7A;
	s5 =	simm.s32 @!p2 $0x0  }
0x1d: {  	s5 =	simm.s32 @p1 $0x1;
	p0 =	seq.s32 s7, s2  }
0x1e: {  	s7 =	smul.u32 @!p0 $0xF7A, s2;
	p2 =	seq.s32 @!p0 s5, $0x0  }
0x1f: {  	s9 =	smul.u32 $0xF7A, s1;
	s8 =	simm.s32 @!p0 $0x1BF5;
	p2 =	por !p2, p0  }
0x20: {  	[sflag:s8] =	ssyncset.s32 @!p0 $0xFFFFF086;
	s6 =	sadd.s32 @!p0 s3, s7;
	s7 =	simm.s32 @!p0 $0x108  }
0x21: {  	s3 =	sadd.s32 s3, s9;
	s6 =	sadd.s32 @!p0 $0x88, s6;
	s7 =	simm.s32 @p2 $0x1082  }
0x22: {  	[simem:s7], [sflag:s8] =	dma.local @!p0 [hbm:s6], $0xF7A  }
0x23: {  	s9 =	sor.u32 $0xD0000000, s2;
	s6 =	simm.s32 $0x108;
	_ =	swait.ge @!p0 [sflag:s8], $0x0  }
0x24: {  	s3 =	sadd.s32 $0x88, s3;
	s6 =	simm.s32 @!p1 $0x1082;
	[sflag:s4] =	ssyncset.s32 $0xFFFFF086  }
0x25: {  	[simem:s6], [sflag:s4] =	dma.local [hbm:s3], $0xF7A  }
0x26: {  	[smem:$0x3F99] =	sst s1;
	(tag) =	ssettag s2;
	_ =	strace s9  }
0x27: {  	s1 =	sld [smem:$0x3FA9]  }
0x28: {  	s2 =	sld [smem:$0x3FAA]  }
0x29: {  	s4 =	sld [smem:$0x3FAC]  }
0x2a: {  	p0 =	seq.s32 s5, $0x0;
	s5 =	sld [smem:$0x3FAD]  }
0x2b: {  	s6 =	sld [smem:$0x3FAE]  }
0x2c: {  	s7 =	sld [smem:$0x3FAF]  }
0x2d: {  	s3 =	simm.s32 $0x108;
	s8 =	sld [smem:$0x3FB0]  }
0x2e: {  	s3 =	simm.s32 @!p0 $0x1082;
	s9 =	sld [smem:$0x3FB1]  }
0x2f: {  	lr =	sadd.s32 s0, s3;
	s0 =	sld [smem:$0x3FA8]  }
0x30: {  	s3 =	sld [smem:$0x3FAB]  }
0x31: {  	[smem:$0x3FB4] =	sst s10  }
0x32: {  	s10 =	sld [smem:$0x3FB2];
	_ =	sdelay $0x3  }
0x33: {  	p0 =	seq.s32 s10, $0x1;
	s10 =	sld [smem:$0x3FB4];
	_ =	sdelay $0x3  }
0x34: {  	[smem:$0x3FB4] =	sst s10  }
0x35: {  	s10 =	sld [smem:$0x3FB3];
	_ =	sdelay $0x3  }
0x36: {  	p1 =	seq.s32 s10, $0x1;
	s10 =	sld [smem:$0x3FB4];
	_ =	sdelay $0x3  }
0x37: {  	[smem:$0x3FB4] =	sst s10  }
0x38: {  	s10 =	sld [smem:$0x3FB5]  }
0x39: {  	_ = 	snop;
	(pc) =	sbr.ind lr, $3  }
0x3a: {  	_ = 	snop  }
0x3b: {  	_ = 	snop  }
0x3c: {  	p2 =	seq.s32 s10, $0x1;
	s10 =	sld [smem:$0x3FB4]  }
0x3d: {  	_ =	shalt  }
0x3e: {  	_ =	shalt  }
0x3f: {  	_ =	shalt  }
0x40: {  	_ =	shalt  }
0x41: {  	_ =	shalt  }
0x42: {  	_ =	shalt  }
0x43: {  	_ =	shalt  }
0x44: {  	_ =	shalt  }
0x45: {  	_ =	shalt  }
0x46: {  	_ =	shalt  }
0x47: {  	_ =	shalt  }
0x48: {  	_ =	shalt  }
0x49: {  	_ =	shalt  }
0x4a: {  	_ =	shalt  }
0x4b: {  	_ =	shalt  }
0x4c: {  	_ =	shalt  }
0x4d: {  	_ =	shalt  }
0x4e: {  	_ =	shalt  }
0x4f: {  	_ =	shalt  }
0x50: {  	_ =	shalt  }
0x51: {  	_ =	shalt  }
0x52: {  	_ =	shalt  }
0x53: {  	_ =	shalt  }
0x54: {  	_ =	shalt  }
0x55: {  	_ =	shalt  }
0x56: {  	_ =	shalt  }
0x57: {  	_ =	shalt  }
0x58: {  	_ =	shalt  }
0x59: {  	_ =	shalt  }
0x5a: {  	_ =	shalt  }
0x5b: {  	_ =	shalt  }
0x5c: {  	_ =	shalt  }
0x5d: {  	_ =	shalt  }
0x5e: {  	_ =	shalt  }
0x5f: {  	_ =	shalt  }
0x60: {  	_ =	shalt  }
0x61: {  	_ =	shalt  }
0x62: {  	_ =	shalt  }
0x63: {  	_ =	shalt  }
0x64: {  	_ =	shalt  }
0x65: {  	_ =	shalt  }
0x66: {  	_ =	shalt  }
0x67: {  	_ =	shalt  }
0x68: {  	_ =	shalt  }
0x69: {  	_ =	shalt  }
0x6a: {  	_ =	shalt  }
0x6b: {  	_ =	shalt  }
0x6c: {  	_ =	shalt  }
0x6d: {  	_ =	shalt  }
0x6e: {  	_ =	shalt  }
0x6f: {  	_ =	shalt  }
0x70: {  	_ =	shalt  }
0x71: {  	_ =	shalt  }
0x72: {  	_ =	shalt  }
0x73: {  	_ =	shalt  }
0x74: {  	_ =	shalt  }
0x75: {  	_ =	shalt  }
0x76: {  	_ =	shalt  }
0x77: {  	_ =	shalt  }
0x78: {  	_ =	shalt  }
0x79: {  	_ =	shalt  }
0x7a: {  	_ =	shalt  }
0x7b: {  	_ =	shalt  }
0x7c: {  	_ =	shalt  }
0x7d: {  	_ =	shalt  }
0x7e: {  	_ =	shalt  }
0x7f: {  	_ =	shalt  }
0x80: {  	_ =	shalt  }
0x81: {  	_ =	shalt  }
0x82: {  	_ =	shalt  }
0x83: {  	_ =	shalt  }
0x84: {  	_ =	shalt  }
0x85: {  	_ =	shalt  }
0x86: {  	_ =	shalt  }
0x87: {  	_ =	shalt  }
.Lfunc_end0:
.L_simem_size_0:
called_computation_lowered:
.L_overlay_start_0:
0x88: {  	s2 =	sld [smem:$0x3FD9]  }
0x89: {  	s3 =	sld [smem:$0x3FFE];
	_ =	sdelay $0x1  }
0x8a: {  	s1 =	srdreg.scid  }
0x8b: {  	s0 =	sand.u32 $0x1, s1  }
0x8c: {  	s17 =	sshll.u32 s0, $0xA;
	s2 =	sadd.s32 s3, s2  }
0x8d: {  	s2 =	sadd.s32 s2, s17  }
0x8e: {  	[smem:$0x3FC0] =	sst s2  }
0x8f: {  	_ = 	snop  }
0x90: {  	s2 =	sld [smem:$0x3FC9]  }
0x91: {  	s18 =	sld [smem:$0x3FC8]  }
0x92: {  	s4 =	sld [smem:$0x3FC7]  }
0x93: {  	s5 =	sld [smem:$0x3FC6];
	(tm) =	ssettm $0x1  }
0x94: {  	s6 =	sld [smem:$0x3FFB];
	_ =	sdelay $0x3  }
0x95: {  	_ =	strace s6  }
0x96: {  	s6 =	sld [smem:$0x3FFC];
	_ =	sdelay $0x3  }
0x97: {  	_ =	strace s6  }
0x98: {  	s6 =	sld [smem:$0x3FFD];
	_ =	sdelay $0x3  }
0x99: {  	_ =	strace s6  }
0x9a: {  	_ =	strace $0x8FFFFFFF  }
0x9b: {  	s19 =	sld [smem:$0x3FDB];
	_ =	sdelay $0x1  }
0x9c: {  	s7 =	simm.s32 $_scs_section_size  }
0x9d: {  	s8 =	simm.s32 $_size__tile_overlayer_lowered;
	s9 =	simm.s32 $_tile_overlayer_lowered  }
0x9e: {  	s22 =	simm.s32 $0x1BFF;
	s21 =	sshll.u32 s9, $0x1;
	s6 =	sadd.s32 s7, s19  }
0x9f: {  	s10 =	simm.s32 $0x0;
	s20 =	sshll.u32 s8, $0x1;
	s8 =	sadd.s32 s21, s6  }
0xa0: {  	[timem:s10], [sflag:s22] =	dma.local [hbm:s8], s20  }
0xa1: {  	_ =	swait.ge [sflag:s22], s20  }
0xa2: {  	s7 =	ssub.s32 $0x0, s20;
	[sflag:s22] =	ssyncset.done $0x0  }
0xa3: {  	[sflag:s22] =	ssyncadd.s32 s7;
	_ =	sdelay $0x1  }
0xa4: {  	s23 =	simm.s32 $0x1B8B  }
0xa5: {  	_ =	swait.ge [sflag:s23], $0x1  }
0xa6: {  	[sflag:s23] =	ssyncset.done $0x0  }
0xa7: {  	s25 =	simm.s32 $0x1B8E;
	s24 =	sld [smem:$0x3FFE];
	[sflag:s23] =	ssyncadd.s32 $0xFFFFFFFF  }
0xa8: {  	s26 =	simm.s32 $execute0_lowered;
	[smem:$0x3FD2] =	sst s25  }
0xa9: {  	s8 =	sshll.u32 s26, $0x1;
	_ =	strace $0x80000046;
	[dreg:$0x1] =	wrdreg $0xFFFFFFFF  }
0xaa: {  	s28 =	simm.s32 $_size_execute0_lowered;
	s6 =	sadd.s32 s6, s8;
	[dreg:$0x0] =	wrdreg $0x0  }
0xab: {  	s8 =	sshll.u32 s28, $0x1;
	[dreg:$0x2] =	wrdreg s6  }
0xac: {  	[dreg:$0x3] =	wrdreg s8  }
0xad: {  	[dreg:$0x4] =	wrdreg $0xC0  }
0xae: {  	_ =	task [dreg:s10], $0x5FFFF  }
0xaf: {  	[dreg:$0x1] =	wrdreg $0xFFFFFFFF  }
0xb0: {  	[dreg:$0x0] =	wrdreg $0x60  }
0xb1: {  	[dreg:$0x2] =	wrdreg s2  }
0xb2: {  	[dreg:$0x3] =	wrdreg s18  }
0xb3: {  	[dreg:$0x4] =	wrdreg s4  }
0xb4: {  	[dreg:$0x5] =	wrdreg s5  }
0xb5: {  	[dreg:$0x6] =	wrdreg s24  }
0xb6: {  	[dreg:$0x7] =	wrdreg $0x9  }
0xb7: {  	_ =	task.clear_ibuf [dreg:s10], $0x8FFFF;
	_ =	strace $0x90000046  }
0xb8: {  	s29 =	simm.s32 $0x9;
	_ =	strace $0x80000048  }
0xb9: {  	_ =	swait.ge [sflag:s29], $0x1  }
0xba: {  	[sflag:s29] =	ssyncadd.s32 $0xFFFFFFFF  }
0xbb: {  	_ =	strace $0x90000048  }
0xbc: {  	_ =	sfence  }
0xbd: {  	s30 =	sld [smem:$0x0];
	_ =	sdelay $0x2  }
0xbe: {  	s31 =	sshll.u32 s1, $0xD;
	s1 =	sshrl.u32 s1, $0x2  }
0xbf: {  	s3 =	sand.u32 $0x4000, s31;
	s1 =	sadd.s32 s1, s30  }
0xc0: {  	s0 =	sor.u32 s3, s0;
	s1 =	sshll.u32 s1, $0x11  }
0xc1: {  	s0 =	sor.u32 s1, s0  }
0xc2: {  	s0 =	sadd.s32 $0x8F2B, s0  }
0xc3: {  	[sflag:s0] =	ssyncadd.remote.s32 $0x1  }
0xc4: {  	_ =	sfence.sel $0xFFFF  }
0xc5: {  	[dreg:$0x0] =	wrdreg $0xFFFFFFFF;
	(pc) =	sbr.abs _section_cstart, $3  }
0xc6: {  	[dreg:$0x1] =	wrdreg $0xFFFFFFFF  }
0xc7: {  	_ =	task.clear_ibuf [dreg:s10], $0x2FFFF;
	_ =	strace $0x9FFFFFFF  }
0xc8: {  	(tm) =	ssettm $0x7FFFFFFF  }
0xc9: {  	_ =	shalt  }
tec
execute0_lowered:
.L_overlay_start_1:
0x0: {  	(tag) =	ssettag $0x1  }
0x1: {  	s0 =	rddreg [dreg:$0x0]  }
0x2: {  	s1 =	rddreg [dreg:$0x1]  }
0x3: {  	s4 =	rddreg [dreg:$0x2]  }
0x4: {  	s3 =	rddreg [dreg:$0x3];
	s2 =	srdreg.scid  }
0x5: {  	s15 =	stileid.u32;
	s5 =	rddreg [dreg:$0x4]  }
0x6: {  	s31 =	simm.s32 $0x10;
	s30 =	simm.s32 $0x11;
	s29 =	simm.s32 $0x12  }
0x7: {  	s24 =	simm.s32 $0x400;
	s25 =	simm.s32 $0x4400;
	s28 =	simm.s32 $0x1  }
0x8: {  	s23 =	simm.s32 $0x3;
	s6 =	sand.u32 $0x1, s2;
	s7 =	sshll.u32 s15, $0x1  }
0x9: {  	p0 =	por $0x0, $0x0;
	s2 =	simm.s32 $0x0;
	s7 =	sor.u32 s6, s7  }
0xa: {  	[smem:$0x7FF] =	sst s2;
	s18 =	ssub.s32 $0x2, s6;
	s8 =	sshll.u32 s7, $0x4  }
0xb: {  	_ =	strace $0x80000047;
	s7 =	sshll.u32 s7, $0xB;
	s6 =	sshrl.u32 s18, $0x1  }
0xc: {  	s9 =	sadd.s32 s0, s8;
	s26 =	sadd.s32 s1, s8;
	s10 =	sor.u32 $0x200, s8  }
0xd: {  	s8 =	sor.u32 $0x400, s8;
	s5 =	sadd.s32 s7, s5;
	[dreg:$0x6] =	wrdreg s9  }
0xe: {  	s7 =	simm.s32 $0xD;
	[dreg:$0x7] =	wrdreg s26;
	s11 =	sadd.s32 s0, s10  }
0xf: {  	s12 =	sadd.s32 s1, s10;
	s0 =	sadd.s32 s0, s8;
	[dreg:$0x8] =	wrdreg s11  }
0x10: {  	s13 =	sadd.s32 s1, s8;
	s14 =	sadd.s32 $0x1600, s5;
	[dreg:$0x9] =	wrdreg s12  }
0x11: {  	s16 =	sadd.s32 $0x11600, s5;
	s17 =	sadd.s32 $0x21600, s5;
	[dreg:$0xa] =	wrdreg s0  }
0x12: {  	s19 =	sadd.s32 $0x31600, s5;
	s20 =	sadd.s32 $0x41600, s5;
	[dreg:$0xb] =	wrdreg s13  }
0x13: {  	s1 =	ssub.s32 s18, s6;
	s21 =	sadd.s32 $0x51600, s5;
	[dreg:$0xc] =	wrdreg s14  }
0x14: {  	s18 =	simm.s32 $0x14400;
	s26 =	simm.s32 $0x2;
	[dreg:$0xd] =	wrdreg s16  }
0x15: {  	s9 =	simm.s32 $0x9;
	[dreg:$0xe] =	wrdreg s17;
	s22 =	smax.u32 s1, $0x1  }
0x16: {  	s8 =	simm.s32 $0xA;
	[dreg:$0xf] =	wrdreg s19;
	p1 =	sne.s32 s22, $0x1  }
.Ltmp0:
0x17: {  	s6 =	simm.s32 $0xB;
	[dreg:$0x10] =	wrdreg s20;
	(pc) =	sbr.rel @!p1 .LBB2_5-.Ltmp0, $4  }
0x18: {  	s5 =	simm.s32 $0xC;
	[dreg:$0x11] =	wrdreg s21;
	s17 =	simm.s32 $0x80  }
0x19: {  	s0 =	simm.s32 $0xE;
	s1 =	simm.s32 $0xF;
	s16 =	simm.s32 $0x5  }
0x1a: {  	s14 =	simm.s32 $0x6;
	s12 =	simm.s32 $0x7;
	s11 =	simm.s32 $0x8  }
0x1b: {  	s13 =	rddreg [dreg:$0x6];
	s10 =	sadd.s32 $0xFFFFFFFF, s22;
	s22 =	simm.s32 $0x4  }
0x1c: {  	[tilespmem:s2], [sflag:$0xD] =	stream.linear.gather [hbm4b:s13+s2], $0x80, $0x38;
	[tilespmem:$0x18400] =	vst v63  }
0x1d: {  	s21 =	rddreg [dreg:$0x7];
	s19 =	simm.s32 $0x200  }
0x1e: {  	[tilespmem:s19], [sflag:$0xE] =	stream.linear.gather [hbm4b:s21+s2], $0x80, $0x38;
	[tilespmem:$0x18400] =	vst v63  }
0x1f: {  	s20 =	rddreg [dreg:$0x8]  }
0x20: {  	[tilespmem:s17], [sflag:$0xF] =	stream.linear.gather [hbm4b:s20+s2], $0x80, $0x38;
	[tilespmem:$0x18400] =	vst v63  }
0x21: {  	s21 =	rddreg [dreg:$0x9];
	s20 =	simm.s32 $0x280  }
0x22: {  	[tilespmem:s20], [sflag:$0x10] =	stream.linear.gather [hbm4b:s21+s2], $0x80, $0x38;
	[tilespmem:$0x18400] =	vst v63  }
0x23: {  	s13 =	rddreg [dreg:$0xa];
	s21 =	simm.s32 $0x100  }
0x24: {  	[tilespmem:s21], [sflag:$0x11] =	stream.linear.gather [hbm4b:s13+s2], $0x80, $0x38;
	[tilespmem:$0x18400] =	vst v63  }
0x25: {  	s19 =	rddreg [dreg:$0xb];
	s13 =	simm.s32 $0x300  }
0x26: {  	[tilespmem:s13], [sflag:$0x12] =	stream.linear.gather [hbm4b:s19+s2], $0x80, $0x38;
	[tilespmem:$0x18400] =	vst v63  }
0x27: {  	_ =	swait.ge [sflag:s7], $0x80  }
0x28: {  	[sflag:s7] =	ssyncset.done $0x0  }
0x29: {  	[sflag:s7] =	ssyncadd.s32 $0xFFFFFF80  }
0x2a: {  	_ =	swait.ge [sflag:s0], $0x80  }
0x2b: {  	[sflag:s0] =	ssyncset.done $0x0  }
0x2c: {  	[sflag:s0] =	ssyncadd.s32 $0xFFFFFF80  }
0x2d: {  	_ =	swait.ge [sflag:s1], $0x80  }
0x2e: {  	[sflag:s1] =	ssyncset.done $0x0  }
0x2f: {  	[sflag:s1] =	ssyncadd.s32 $0xFFFFFF80  }
0x30: {  	_ =	swait.ge [sflag:s31], $0x80  }
0x31: {  	[sflag:s31] =	ssyncset.done $0x0  }
0x32: {  	[sflag:s31] =	ssyncadd.s32 $0xFFFFFF80  }
0x33: {  	_ =	swait.ge [sflag:s30], $0x80  }
0x34: {  	[sflag:s30] =	ssyncset.done $0x0  }
0x35: {  	[sflag:s30] =	ssyncadd.s32 $0xFFFFFF80  }
0x36: {  	_ =	swait.ge [sflag:s29], $0x80  }
0x37: {  	[sflag:s29] =	ssyncset.done $0x0  }
0x38: {  	[sflag:s29] =	ssyncadd.s32 $0xFFFFFF80  }
0x39: {  	[tilespmem:s24], [sflag:$0x1] =	stream.indirect.gather [hbm4b:s4+s17], $0x80, s2, s17, $0xb8;
	[tilespmem:$0x18400] =	vst v63  }
0x3a: {  	_ = 	snop  }
0x3b: {  	[tilespmem:s25], [sflag:$0x2] =	stream.indirect.gather [hbm4b:s4+s17], $0x80, s17, s17, $0xb8;
	[tilespmem:$0x18400] =	vst v63  }
0x3c: {  	s19 =	simm.s32 $0x8400  }
0x3d: {  	[tilespmem:s19], [sflag:$0x3] =	stream.indirect.gather [hbm4b:s4+s17], $0x80, s21, s17, $0xb8;
	[tilespmem:$0x18400] =	vst v63  }
0x3e: {  	s15 =	smov.u32 s10;
	s10 =	simm.s32 $0x200;
	s21 =	simm.s32 $0xC400  }
0x3f: {  	[tilespmem:s21], [sflag:$0x4] =	stream.indirect.gather [hbm4b:s3+s17], $0x80, s10, s17, $0xb8;
	[tilespmem:$0x18400] =	vst v63  }
0x40: {  	s10 =	simm.s32 $0x10400  }
0x41: {  	[tilespmem:s10], [sflag:$0x5] =	stream.indirect.gather [hbm4b:s3+s17], $0x80, s20, s17, $0xb8;
	[tilespmem:$0x18400] =	vst v63  }
0x42: {  	_ = 	snop  }
0x43: {  	[tilespmem:s18], [sflag:$0x6] =	stream.indirect.gather [hbm4b:s3+s17], $0x80, s13, s17, $0xb8;
	[tilespmem:$0x18400] =	vst v63  }
0x44: {  	_ =	swait.ge [sflag:s28], $0x4000  }
0x45: {  	[sflag:s28] =	ssyncset.done $0x0  }
0x46: {  	s13 =	rddreg [dreg:$0xc];
	[sflag:s28] =	ssyncadd.s32 $0xFFFFC000  }
0x47: {  	[hbm4b:s13+s2] =	stream.linear.scatter [tilespmem:s24], [sflag:$0x7], $0x4000, $0x38;
	[tilespmem:$0x18400] =	vst v63  }
0x48: {  	_ =	swait.ge [sflag:s26], $0x4000  }
0x49: {  	[sflag:s26] =	ssyncset.done $0x0  }
0x4a: {  	s13 =	rddreg [dreg:$0xd];
	[sflag:s26] =	ssyncadd.s32 $0xFFFFC000  }
0x4b: {  	[hbm4b:s13+s2] =	stream.linear.scatter [tilespmem:s25], [sflag:$0x8], $0x4000, $0x38;
	[tilespmem:$0x18400] =	vst v63  }
0x4c: {  	_ =	swait.ge [sflag:s23], $0x4000  }
0x4d: {  	[sflag:s23] =	ssyncset.done $0x0  }
0x4e: {  	s13 =	rddreg [dreg:$0xe];
	[sflag:s23] =	ssyncadd.s32 $0xFFFFC000  }
0x4f: {  	[hbm4b:s13+s2] =	stream.linear.scatter [tilespmem:s19], [sflag:$0x9], $0x4000, $0x38;
	[tilespmem:$0x18400] =	vst v63  }
0x50: {  	_ =	swait.ge [sflag:s22], $0x4000  }
0x51: {  	[sflag:s22] =	ssyncset.done $0x0  }
0x52: {  	s13 =	rddreg [dreg:$0xf];
	[sflag:s22] =	ssyncadd.s32 $0xFFFFC000  }
0x53: {  	[hbm4b:s13+s2] =	stream.linear.scatter [tilespmem:s21], [sflag:$0xA], $0x4000, $0x38;
	[tilespmem:$0x18400] =	vst v63  }
0x54: {  	_ =	swait.ge [sflag:s16], $0x4000  }
0x55: {  	[sflag:s16] =	ssyncset.done $0x0  }
0x56: {  	s20 =	simm.s32 $0x10400;
	s19 =	rddreg [dreg:$0x10];
	[sflag:s16] =	ssyncadd.s32 $0xFFFFC000  }
0x57: {  	[hbm4b:s19+s2] =	stream.linear.scatter [tilespmem:s20], [sflag:$0xB], $0x4000, $0x38;
	[tilespmem:$0x18400] =	vst v63  }
0x58: {  	_ =	swait.ge [sflag:s14], $0x4000  }
0x59: {  	[sflag:s14] =	ssyncset.done $0x0  }
0x5a: {  	s21 =	rddreg [dreg:$0x11];
	[sflag:s14] =	ssyncadd.s32 $0xFFFFC000  }
0x5b: {  	[hbm4b:s21+s2] =	stream.linear.scatter [tilespmem:s18], [sflag:$0xC], $0x4000, $0x38;
	[tilespmem:$0x18400] =	vst v63  }
0x5c: {  	_ =	swait.ge [sflag:s12], $0x4000  }
0x5d: {  	[sflag:s12] =	ssyncset.done $0x0  }
0x5e: {  	[sflag:s12] =	ssyncadd.s32 $0xFFFFC000  }
0x5f: {  	_ =	swait.ge [sflag:s11], $0x4000  }
0x60: {  	[sflag:s11] =	ssyncset.done $0x0  }
0x61: {  	[sflag:s11] =	ssyncadd.s32 $0xFFFFC000  }
0x62: {  	_ =	swait.ge [sflag:s9], $0x4000  }
0x63: {  	[sflag:s9] =	ssyncset.done $0x0  }
0x64: {  	[sflag:s9] =	ssyncadd.s32 $0xFFFFC000  }
0x65: {  	_ =	swait.ge [sflag:s8], $0x4000  }
0x66: {  	[sflag:s8] =	ssyncset.done $0x0  }
0x67: {  	p1 =	sne.s32 s15, $0x1;
	[sflag:s8] =	ssyncadd.s32 $0xFFFFC000  }
.Ltmp1:
0x68: {  	_ =	swait.ge [sflag:s6], $0x4000;
	(pc) =	sbr.rel @!p1 .LBB2_6-.Ltmp1, $4  }
0x69: {  	[sflag:s6] =	ssyncset.done $0x0  }
0x6a: {  	[sflag:s6] =	ssyncadd.s32 $0xFFFFC000  }
0x6b: {  	p0 =	por $0x1, $0x1;
	_ =	swait.ge [sflag:s5], $0x4000  }
0x6c: {  	s10 =	sadd.s32 $0xFFFFFFFF, s15;
	s13 =	rddreg [dreg:$0x6];
	[sflag:s5] =	ssyncset.done $0x0  }
0x6d: {  	s21 =	simm.s32 $0x280  }
.LBB2_3:
0x6e: {  	[sflag:s5] =	ssyncadd.s32 $0xFFFFC000  }
0x6f: {  	[tilespmem:s2], [sflag:$0xD] =	stream.linear.gather [hbm4b:s13+s2], $0x80, $0x38;
	[tilespmem:$0x18400] =	vst v63  }
0x70: {  	s15 =	rddreg [dreg:$0x7];
	s20 =	simm.s32 $0x200  }
0x71: {  	[tilespmem:s20], [sflag:$0xE] =	stream.linear.gather [hbm4b:s15+s2], $0x80, $0x38;
	[tilespmem:$0x18400] =	vst v63  }
0x72: {  	s13 =	rddreg [dreg:$0x8]  }
0x73: {  	[tilespmem:s17], [sflag:$0xF] =	stream.linear.gather [hbm4b:s13+s2], $0x80, $0x38;
	[tilespmem:$0x18400] =	vst v63  }
0x74: {  	s19 =	rddreg [dreg:$0x9]  }
0x75: {  	[tilespmem:s21], [sflag:$0x10] =	stream.linear.gather [hbm4b:s19+s2], $0x80, $0x38;
	[tilespmem:$0x18400] =	vst v63  }
0x76: {  	s13 =	rddreg [dreg:$0xa];
	s19 =	simm.s32 $0x100  }
0x77: {  	[tilespmem:s19], [sflag:$0x11] =	stream.linear.gather [hbm4b:s13+s2], $0x80, $0x38;
	[tilespmem:$0x18400] =	vst v63  }
0x78: {  	s15 =	rddreg [dreg:$0xb];
	s13 =	simm.s32 $0x300  }
0x79: {  	[tilespmem:s13], [sflag:$0x12] =	stream.linear.gather [hbm4b:s15+s2], $0x80, $0x38;
	[tilespmem:$0x18400] =	vst v63  }
0x7a: {  	_ =	swait.ge [sflag:s7], $0x80  }
0x7b: {  	[sflag:s7] =	ssyncset.done $0x0  }
0x7c: {  	[sflag:s7] =	ssyncadd.s32 $0xFFFFFF80  }
0x7d: {  	_ =	swait.ge [sflag:s0], $0x80  }
0x7e: {  	[sflag:s0] =	ssyncset.done $0x0  }
0x7f: {  	[sflag:s0] =	ssyncadd.s32 $0xFFFFFF80  }
0x80: {  	_ =	swait.ge [sflag:s1], $0x80  }
0x81: {  	[sflag:s1] =	ssyncset.done $0x0  }
0x82: {  	[sflag:s1] =	ssyncadd.s32 $0xFFFFFF80  }
0x83: {  	_ =	swait.ge [sflag:s31], $0x80  }
0x84: {  	[sflag:s31] =	ssyncset.done $0x0  }
0x85: {  	[sflag:s31] =	ssyncadd.s32 $0xFFFFFF80  }
0x86: {  	_ =	swait.ge [sflag:s30], $0x80  }
0x87: {  	[sflag:s30] =	ssyncset.done $0x0  }
0x88: {  	[sflag:s30] =	ssyncadd.s32 $0xFFFFFF80  }
0x89: {  	_ =	swait.ge [sflag:s29], $0x80  }
0x8a: {  	[sflag:s29] =	ssyncset.done $0x0  }
0x8b: {  	[sflag:s29] =	ssyncadd.s32 $0xFFFFFF80  }
0x8c: {  	[tilespmem:s24], [sflag:$0x1] =	stream.indirect.gather [hbm4b:s4+s17], $0x80, s2, s17, $0xb8;
	[tilespmem:$0x18400] =	vst v63  }
0x8d: {  	_ = 	snop  }
0x8e: {  	[tilespmem:s25], [sflag:$0x2] =	stream.indirect.gather [hbm4b:s4+s17], $0x80, s17, s17, $0xb8;
	[tilespmem:$0x18400] =	vst v63  }
0x8f: {  	s15 =	simm.s32 $0x8400  }
0x90: {  	[tilespmem:s15], [sflag:$0x3] =	stream.indirect.gather [hbm4b:s4+s17], $0x80, s19, s17, $0xb8;
	[tilespmem:$0x18400] =	vst v63  }
0x91: {  	s19 =	simm.s32 $0xC400  }
0x92: {  	[tilespmem:s19], [sflag:$0x4] =	stream.indirect.gather [hbm4b:s3+s17], $0x80, s20, s17, $0xb8;
	[tilespmem:$0x18400] =	vst v63  }
0x93: {  	s20 =	simm.s32 $0x10400  }
0x94: {  	[tilespmem:s20], [sflag:$0x5] =	stream.indirect.gather [hbm4b:s3+s17], $0x80, s21, s17, $0xb8;
	[tilespmem:$0x18400] =	vst v63  }
0x95: {  	_ = 	snop  }
0x96: {  	[tilespmem:s18], [sflag:$0x6] =	stream.indirect.gather [hbm4b:s3+s17], $0x80, s13, s17, $0xb8;
	[tilespmem:$0x18400] =	vst v63  }
0x97: {  	_ =	swait.ge [sflag:s28], $0x4000  }
0x98: {  	[sflag:s28] =	ssyncset.done $0x0  }
0x99: {  	s13 =	rddreg [dreg:$0xc];
	[sflag:s28] =	ssyncadd.s32 $0xFFFFC000  }
0x9a: {  	[hbm4b:s13+s2] =	stream.linear.scatter [tilespmem:s24], [sflag:$0x7], $0x4000, $0x38;
	[tilespmem:$0x18400] =	vst v63  }
0x9b: {  	_ =	swait.ge [sflag:s26], $0x4000  }
0x9c: {  	[sflag:s26] =	ssyncset.done $0x0  }
0x9d: {  	s13 =	rddreg [dreg:$0xd];
	[sflag:s26] =	ssyncadd.s32 $0xFFFFC000  }
0x9e: {  	[hbm4b:s13+s2] =	stream.linear.scatter [tilespmem:s25], [sflag:$0x8], $0x4000, $0x38;
	[tilespmem:$0x18400] =	vst v63  }
0x9f: {  	_ =	swait.ge [sflag:s23], $0x4000  }
0xa0: {  	[sflag:s23] =	ssyncset.done $0x0  }
0xa1: {  	s13 =	rddreg [dreg:$0xe];
	[sflag:s23] =	ssyncadd.s32 $0xFFFFC000  }
0xa2: {  	[hbm4b:s13+s2] =	stream.linear.scatter [tilespmem:s15], [sflag:$0x9], $0x4000, $0x38;
	[tilespmem:$0x18400] =	vst v63  }
0xa3: {  	_ =	swait.ge [sflag:s22], $0x4000  }
0xa4: {  	[sflag:s22] =	ssyncset.done $0x0  }
0xa5: {  	s15 =	rddreg [dreg:$0xf];
	[sflag:s22] =	ssyncadd.s32 $0xFFFFC000  }
0xa6: {  	[hbm4b:s15+s2] =	stream.linear.scatter [tilespmem:s19], [sflag:$0xA], $0x4000, $0x38;
	[tilespmem:$0x18400] =	vst v63  }
0xa7: {  	_ =	swait.ge [sflag:s16], $0x4000  }
0xa8: {  	[sflag:s16] =	ssyncset.done $0x0  }
0xa9: {  	s19 =	rddreg [dreg:$0x10];
	[sflag:s16] =	ssyncadd.s32 $0xFFFFC000  }
0xaa: {  	[hbm4b:s19+s2] =	stream.linear.scatter [tilespmem:s20], [sflag:$0xB], $0x4000, $0x38;
	[tilespmem:$0x18400] =	vst v63  }
0xab: {  	_ =	swait.ge [sflag:s14], $0x4000  }
0xac: {  	[sflag:s14] =	ssyncset.done $0x0  }
0xad: {  	s20 =	rddreg [dreg:$0x11];
	[sflag:s14] =	ssyncadd.s32 $0xFFFFC000  }
0xae: {  	[hbm4b:s20+s2] =	stream.linear.scatter [tilespmem:s18], [sflag:$0xC], $0x4000, $0x38;
	[tilespmem:$0x18400] =	vst v63  }
0xaf: {  	_ =	swait.ge [sflag:s12], $0x4000  }
0xb0: {  	[sflag:s12] =	ssyncset.done $0x0  }
0xb1: {  	[sflag:s12] =	ssyncadd.s32 $0xFFFFC000  }
0xb2: {  	_ =	swait.ge [sflag:s11], $0x4000  }
0xb3: {  	[sflag:s11] =	ssyncset.done $0x0  }
0xb4: {  	[sflag:s11] =	ssyncadd.s32 $0xFFFFC000  }
0xb5: {  	_ =	swait.ge [sflag:s9], $0x4000  }
0xb6: {  	[sflag:s9] =	ssyncset.done $0x0  }
0xb7: {  	[sflag:s9] =	ssyncadd.s32 $0xFFFFC000  }
0xb8: {  	_ =	swait.ge [sflag:s8], $0x4000  }
0xb9: {  	[sflag:s8] =	ssyncset.done $0x0  }
0xba: {  	p1 =	sne.s32 s10, $0x1;
	[sflag:s8] =	ssyncadd.s32 $0xFFFFC000  }
.Ltmp2:
0xbb: {  	_ =	swait.ge [sflag:s6], $0x4000;
	(pc) =	sbr.rel @p1 .LBB2_3-.Ltmp2, $4  }
0xbc: {  	[sflag:s6] =	ssyncset.done $0x0  }
0xbd: {  	[sflag:s6] =	ssyncadd.s32 $0xFFFFC000  }
0xbe: {  	_ =	swait.ge [sflag:s5], $0x4000  }
0xbf: {  	s10 =	sadd.s32 $0xFFFFFFFF, s10;
	s13 =	rddreg [dreg:$0x6];
	[sflag:s5] =	ssyncset.done $0x0  }
0xc0: {  	s15 =	stileid.u32  }
.LBB2_5:
0xc1: {  	[sflag:s5] =	ssyncadd.s32 @p0 $0xFFFFC000  }
0xc2: {  	[tilespmem:s2], [sflag:$0xD] =	stream.linear.gather [hbm4b:s13+s2], $0x80, $0x38;
	[tilespmem:$0x18400] =	vst v63  }
0xc3: {  	s10 =	rddreg [dreg:$0x7];
	s18 =	simm.s32 $0x200  }
0xc4: {  	[tilespmem:s18], [sflag:$0xE] =	stream.linear.gather [hbm4b:s10+s2], $0x80, $0x38;
	[tilespmem:$0x18400] =	vst v63  }
0xc5: {  	s20 =	rddreg [dreg:$0x8]  }
0xc6: {  	[tilespmem:s17], [sflag:$0xF] =	stream.linear.gather [hbm4b:s20+s2], $0x80, $0x38;
	[tilespmem:$0x18400] =	vst v63  }
0xc7: {  	s21 =	rddreg [dreg:$0x9];
	s19 =	simm.s32 $0x280  }
0xc8: {  	[tilespmem:s19], [sflag:$0x10] =	stream.linear.gather [hbm4b:s21+s2], $0x80, $0x38;
	[tilespmem:$0x18400] =	vst v63  }
0xc9: {  	s24 =	rddreg [dreg:$0xa];
	s21 =	simm.s32 $0x100  }
0xca: {  	[tilespmem:s21], [sflag:$0x11] =	stream.linear.gather [hbm4b:s24+s2], $0x80, $0x38;
	[tilespmem:$0x18400] =	vst v63  }
0xcb: {  	s25 =	rddreg [dreg:$0xb];
	s20 =	simm.s32 $0x300  }
0xcc: {  	[tilespmem:s20], [sflag:$0x12] =	stream.linear.gather [hbm4b:s25+s2], $0x80, $0x38;
	[tilespmem:$0x18400] =	vst v63  }
0xcd: {  	_ =	swait.ge [sflag:s7], $0x80  }
0xce: {  	[sflag:s7] =	ssyncset.done $0x0  }
0xcf: {  	[sflag:s7] =	ssyncadd.s32 $0xFFFFFF80  }
0xd0: {  	_ =	swait.ge [sflag:s0], $0x80  }
0xd1: {  	[sflag:s0] =	ssyncset.done $0x0  }
0xd2: {  	[sflag:s0] =	ssyncadd.s32 $0xFFFFFF80  }
0xd3: {  	_ =	swait.ge [sflag:s1], $0x80  }
0xd4: {  	[sflag:s1] =	ssyncset.done $0x0  }
0xd5: {  	[sflag:s1] =	ssyncadd.s32 $0xFFFFFF80  }
0xd6: {  	_ =	swait.ge [sflag:s31], $0x80  }
0xd7: {  	[sflag:s31] =	ssyncset.done $0x0  }
0xd8: {  	[sflag:s31] =	ssyncadd.s32 $0xFFFFFF80  }
0xd9: {  	_ =	swait.ge [sflag:s30], $0x80  }
0xda: {  	[sflag:s30] =	ssyncset.done $0x0  }
0xdb: {  	[sflag:s30] =	ssyncadd.s32 $0xFFFFFF80  }
0xdc: {  	_ =	swait.ge [sflag:s29], $0x80  }
0xdd: {  	[sflag:s29] =	ssyncset.done $0x0  }
0xde: {  	s24 =	simm.s32 $0x400;
	[sflag:s29] =	ssyncadd.s32 $0xFFFFFF80  }
0xdf: {  	[tilespmem:s24], [sflag:$0x1] =	stream.indirect.gather [hbm4b:s4+s17], $0x80, s2, s17, $0xb8;
	[tilespmem:$0x18400] =	vst v63  }
0xe0: {  	s31 =	simm.s32 $0x4400  }
0xe1: {  	[tilespmem:s31], [sflag:$0x2] =	stream.indirect.gather [hbm4b:s4+s17], $0x80, s17, s17, $0xb8;
	[tilespmem:$0x18400] =	vst v63  }
0xe2: {  	s1 =	simm.s32 $0x8400  }
0xe3: {  	[tilespmem:s1], [sflag:$0x3] =	stream.indirect.gather [hbm4b:s4+s17], $0x80, s21, s17, $0xb8;
	[tilespmem:$0x18400] =	vst v63  }
0xe4: {  	s4 =	simm.s32 $0xC400  }
0xe5: {  	[tilespmem:s4], [sflag:$0x4] =	stream.indirect.gather [hbm4b:s3+s17], $0x80, s18, s17, $0xb8;
	[tilespmem:$0x18400] =	vst v63  }
0xe6: {  	s18 =	simm.s32 $0x10400  }
0xe7: {  	[tilespmem:s18], [sflag:$0x5] =	stream.indirect.gather [hbm4b:s3+s17], $0x80, s19, s17, $0xb8;
	[tilespmem:$0x18400] =	vst v63  }
0xe8: {  	s19 =	simm.s32 $0x14400  }
0xe9: {  	[tilespmem:s19], [sflag:$0x6] =	stream.indirect.gather [hbm4b:s3+s17], $0x80, s20, s17, $0xb8;
	[tilespmem:$0x18400] =	vst v63  }
0xea: {  	_ =	swait.ge [sflag:s28], $0x4000  }
0xeb: {  	[sflag:s28] =	ssyncset.done $0x0  }
0xec: {  	s21 =	rddreg [dreg:$0xc];
	[sflag:s28] =	ssyncadd.s32 $0xFFFFC000  }
0xed: {  	[hbm4b:s21+s2] =	stream.linear.scatter [tilespmem:s24], [sflag:$0x7], $0x4000, $0x38;
	[tilespmem:$0x18400] =	vst v63  }
0xee: {  	_ =	swait.ge [sflag:s26], $0x4000  }
0xef: {  	[sflag:s26] =	ssyncset.done $0x0  }
0xf0: {  	s25 =	rddreg [dreg:$0xd];
	[sflag:s26] =	ssyncadd.s32 $0xFFFFC000  }
0xf1: {  	[hbm4b:s25+s2] =	stream.linear.scatter [tilespmem:s31], [sflag:$0x8], $0x4000, $0x38;
	[tilespmem:$0x18400] =	vst v63  }
0xf2: {  	_ =	swait.ge [sflag:s23], $0x4000  }
0xf3: {  	[sflag:s23] =	ssyncset.done $0x0  }
0xf4: {  	s28 =	rddreg [dreg:$0xe];
	[sflag:s23] =	ssyncadd.s32 $0xFFFFC000  }
0xf5: {  	[hbm4b:s28+s2] =	stream.linear.scatter [tilespmem:s1], [sflag:$0x9], $0x4000, $0x38;
	[tilespmem:$0x18400] =	vst v63  }
0xf6: {  	_ =	swait.ge [sflag:s22], $0x4000  }
0xf7: {  	[sflag:s22] =	ssyncset.done $0x0  }
0xf8: {  	s29 =	rddreg [dreg:$0xf];
	[sflag:s22] =	ssyncadd.s32 $0xFFFFC000  }
0xf9: {  	[hbm4b:s29+s2] =	stream.linear.scatter [tilespmem:s4], [sflag:$0xA], $0x4000, $0x38;
	[tilespmem:$0x18400] =	vst v63  }
0xfa: {  	_ =	swait.ge [sflag:s16], $0x4000  }
0xfb: {  	[sflag:s16] =	ssyncset.done $0x0  }
0xfc: {  	s30 =	rddreg [dreg:$0x10];
	[sflag:s16] =	ssyncadd.s32 $0xFFFFC000  }
0xfd: {  	[hbm4b:s30+s2] =	stream.linear.scatter [tilespmem:s18], [sflag:$0xB], $0x4000, $0x38;
	[tilespmem:$0x18400] =	vst v63  }
0xfe: {  	_ =	swait.ge [sflag:s14], $0x4000  }
0xff: {  	[sflag:s14] =	ssyncset.done $0x0  }
0x100: {  	s31 =	rddreg [dreg:$0x11];
	[sflag:s14] =	ssyncadd.s32 $0xFFFFC000  }
0x101: {  	[hbm4b:s31+s2] =	stream.linear.scatter [tilespmem:s19], [sflag:$0xC], $0x4000, $0x38;
	[tilespmem:$0x18400] =	vst v63  }
0x102: {  	_ =	swait.ge [sflag:s12], $0x4000  }
0x103: {  	[sflag:s12] =	ssyncset.done $0x0  }
0x104: {  	[sflag:s12] =	ssyncadd.s32 $0xFFFFC000  }
0x105: {  	_ =	swait.ge [sflag:s11], $0x4000  }
0x106: {  	[sflag:s11] =	ssyncset.done $0x0  }
0x107: {  	[sflag:s11] =	ssyncadd.s32 $0xFFFFC000  }
0x108: {  	_ =	swait.ge [sflag:s9], $0x4000  }
0x109: {  	[sflag:s9] =	ssyncset.done $0x0  }
0x10a: {  	[sflag:s9] =	ssyncadd.s32 $0xFFFFC000  }
0x10b: {  	_ =	swait.ge [sflag:s8], $0x4000  }
0x10c: {  	[sflag:s8] =	ssyncset.done $0x0  }
0x10d: {  	[sflag:s8] =	ssyncadd.s32 $0xFFFFC000  }
0x10e: {  	_ =	swait.ge [sflag:s6], $0x4000  }
0x10f: {  	[sflag:s6] =	ssyncset.done $0x0  }
0x110: {  	[sflag:s6] =	ssyncadd.s32 $0xFFFFC000  }
0x111: {  	_ =	swait.ge [sflag:s5], $0x4000  }
0x112: {  	[sflag:s5] =	ssyncset.done $0x0  }
0x113: {  	[sflag:s5] =	ssyncadd.s32 $0xFFFFC000  }
0x114: {  	_ =	sfence.sel $0x180000  }
0x115: {  	[bflag:$0x0] =	sbarrier.arrive $0xFFFF  }
0x116: {  	_ =	strace $0x90000047  }
0x117: {  	[bflag:$0x2] =	sbarrier.arrive $0xFFFF  }
0x118: {  	p0 =	sne.s32 s15, $0x0;
	s0 =	rddreg [dreg:$0x5]  }
0x119: {  	s0 =	sadd.s32 @!p0 $0x100000, s0  }
0x11a: {  	[sflag:s0] =	ssyncadd.tile.s32 @!p0 $0x1;
	_ =	shalt  }
.LBB2_6:
.Ltmp3:
0x11b: {  	(pc) =	sbr.rel .LBB2_5-.Ltmp3, $2  }
0x11c: {  	_ =	sdelay $0x2  }
0x11d: {  	s15 =	stileid.u32  }
.Lfunc_end2:
_tile_overlayer_lowered:
.L_overlay_start_2:
0x11e: {  	(tag) =	ssettag $0x2  }
0x11f: {  	s0 =	rddreg [dreg:$0x0];
	s2 =	stileid.u32  }
0x120: {  	s1 =	rddreg [dreg:$0x1];
	p0 =	sne.s32 s2, $0x0  }
0x121: {  	s3 =	rddreg [dreg:$0x2];
	[bflag:$0x3] =	sbarrier.arrive $0xFFFF;
	s2 =	simm.s32 @!p0 $0x1C13  }
0x122: {  	[timem:s3], [sflag:s2] =	dma.local @!p0 [hbm:s0], s1  }
0x123: {  	s0 =	simm.s32 @!p0 $0x13  }
0x124: {  	_ =	swait.ge @!p0 [sflag:s0], s1  }
0x125: {  	s1 =	ssub.s32 @!p0 $0x0, s1;
	[sflag:s0] =	ssyncset.done @!p0 $0x0  }
0x126: {  	[sflag:s0] =	ssyncadd.s32 @!p0 s1  }
0x127: {  	[bflag:$0x3] =	sbarrier.arrive $0xFFFF  }
0x128: {  	_ =	shalt  }

// kernel: kernel.9.cloned.1.call-start
scs
__scs_entry_jumppad:
0x0: {  	(pc) =	sbr.rel $0x88, $3  }
0x1: {  	(tag) =	ssettag $0x0;
	lr =	simm.s32 $0x1  }
0x2: {  	[smem:$0x3F99] =	sst lr;
	_ =	strace $0xD0000000  }
0x3: {  	_ = 	snop  }
0x4: {  	_ = 	snop  }
0x5: {  	_ = 	snop  }
0x6: {  	_ = 	snop  }
0x7: {  	_ = 	snop  }
__scs_overlays_trampoline_lowered:
0x8: {  	[smem:$0x3FA8] =	sst s0  }
0x9: {  	[smem:$0x3FA9] =	sst s1  }
0xa: {  	[smem:$0x3FAA] =	sst s2  }
0xb: {  	[smem:$0x3FAB] =	sst s3  }
0xc: {  	[smem:$0x3FAC] =	sst s4  }
0xd: {  	[smem:$0x3FAD] =	sst s5  }
0xe: {  	[smem:$0x3FAE] =	sst s6  }
0xf: {  	[smem:$0x3FAF] =	sst s7  }
0x10: {  	[smem:$0x3FB0] =	sst s8  }
0x11: {  	[smem:$0x3FB1] =	sst s9;
	s0 =	simm.s32 @!p0 $0x0  }
0x12: {  	s1 =	sld [smem:$0x3F97];
	s0 =	simm.s32 @p0 $0x1  }
0x13: {  	[smem:$0x3FB2] =	sst s0;
	s0 =	simm.s32 @!p1 $0x0  }
0x14: {  	s2 =	sld [smem:$0x3F96];
	s0 =	simm.s32 @p1 $0x1  }
0x15: {  	[smem:$0x3FB3] =	sst s0;
	s0 =	simm.s32 @!p2 $0x0  }
0x16: {  	s3 =	sld [smem:$0x3FDB];
	s0 =	simm.s32 @p2 $0x1  }
0x17: {  	s4 =	simm.s32 $0x1BF5;
	[smem:$0x3FB5] =	sst s0  }
0x18: {  	s0 =	sld [smem:$0x3F98];
	_ =	swait.ge [sflag:s4], $0x0  }
0x19: {  	s7 =	sld [smem:$0x3F99]  }
0x1a: {  	s8 =	sadd.s32 $0xFFFFE003, lr  }
0x1b: {  	s9 =	sadd.s32 $0xFFFFFEF7, lr;
	s5 =	simm.s32 $0xFFFFFFFF;
	p2 =	slt.u32 s8, $0xFFFFF086  }
0x1c: {  	p1 =	slt.u32 s9, $0xF7A;
	s5 =	simm.s32 @!p2 $0x0  }
0x1d: {  	s5 =	simm.s32 @p1 $0x1;
	p0 =	seq.s32 s7, s2  }
0x1e: {  	s7 =	smul.u32 @!p0 $0xF7A, s2;
	p2 =	seq.s32 @!p0 s5, $0x0  }
0x1f: {  	s9 =	smul.u32 $0xF7A, s1;
	s8 =	simm.s32 @!p0 $0x1BF5;
	p2 =	por !p2, p0  }
0x20: {  	[sflag:s8] =	ssyncset.s32 @!p0 $0xFFFFF086;
	s6 =	sadd.s32 @!p0 s3, s7;
	s7 =	simm.s32 @!p0 $0x108  }
0x21: {  	s3 =	sadd.s32 s3, s9;
	s6 =	sadd.s32 @!p0 $0x88, s6;
	s7 =	simm.s32 @p2 $0x1082  }
0x22: {  	[simem:s7], [sflag:s8] =	dma.local @!p0 [hbm:s6], $0xF7A  }
0x23: {  	s9 =	sor.u32 $0xD0000000, s2;
	s6 =	simm.s32 $0x108;
	_ =	swait.ge @!p0 [sflag:s8], $0x0  }
0x24: {  	s3 =	sadd.s32 $0x88, s3;
	s6 =	simm.s32 @!p1 $0x1082;
	[sflag:s4] =	ssyncset.s32 $0xFFFFF086  }
0x25: {  	[simem:s6], [sflag:s4] =	dma.local [hbm:s3], $0xF7A  }
0x26: {  	[smem:$0x3F99] =	sst s1;
	(tag) =	ssettag s2;
	_ =	strace s9  }
0x27: {  	s1 =	sld [smem:$0x3FA9]  }
0x28: {  	s2 =	sld [smem:$0x3FAA]  }
0x29: {  	s4 =	sld [smem:$0x3FAC]  }
0x2a: {  	p0 =	seq.s32 s5, $0x0;
	s5 =	sld [smem:$0x3FAD]  }
0x2b: {  	s6 =	sld [smem:$0x3FAE]  }
0x2c: {  	s7 =	sld [smem:$0x3FAF]  }
0x2d: {  	s3 =	simm.s32 $0x108;
	s8 =	sld [smem:$0x3FB0]  }
0x2e: {  	s3 =	simm.s32 @!p0 $0x1082;
	s9 =	sld [smem:$0x3FB1]  }
0x2f: {  	lr =	sadd.s32 s0, s3;
	s0 =	sld [smem:$0x3FA8]  }
0x30: {  	s3 =	sld [smem:$0x3FAB]  }
0x31: {  	[smem:$0x3FB4] =	sst s10  }
0x32: {  	s10 =	sld [smem:$0x3FB2];
	_ =	sdelay $0x3  }
0x33: {  	p0 =	seq.s32 s10, $0x1;
	s10 =	sld [smem:$0x3FB4];
	_ =	sdelay $0x3  }
0x34: {  	[smem:$0x3FB4] =	sst s10  }
0x35: {  	s10 =	sld [smem:$0x3FB3];
	_ =	sdelay $0x3  }
0x36: {  	p1 =	seq.s32 s10, $0x1;
	s10 =	sld [smem:$0x3FB4];
	_ =	sdelay $0x3  }
0x37: {  	[smem:$0x3FB4] =	sst s10  }
0x38: {  	s10 =	sld [smem:$0x3FB5]  }
0x39: {  	_ = 	snop;
	(pc) =	sbr.ind lr, $3  }
0x3a: {  	_ = 	snop  }
0x3b: {  	_ = 	snop  }
0x3c: {  	p2 =	seq.s32 s10, $0x1;
	s10 =	sld [smem:$0x3FB4]  }
0x3d: {  	_ =	shalt  }
0x3e: {  	_ =	shalt  }
0x3f: {  	_ =	shalt  }
0x40: {  	_ =	shalt  }
0x41: {  	_ =	shalt  }
0x42: {  	_ =	shalt  }
0x43: {  	_ =	shalt  }
0x44: {  	_ =	shalt  }
0x45: {  	_ =	shalt  }
0x46: {  	_ =	shalt  }
0x47: {  	_ =	shalt  }
0x48: {  	_ =	shalt  }
0x49: {  	_ =	shalt  }
0x4a: {  	_ =	shalt  }
0x4b: {  	_ =	shalt  }
0x4c: {  	_ =	shalt  }
0x4d: {  	_ =	shalt  }
0x4e: {  	_ =	shalt  }
0x4f: {  	_ =	shalt  }
0x50: {  	_ =	shalt  }
0x51: {  	_ =	shalt  }
0x52: {  	_ =	shalt  }
0x53: {  	_ =	shalt  }
0x54: {  	_ =	shalt  }
0x55: {  	_ =	shalt  }
0x56: {  	_ =	shalt  }
0x57: {  	_ =	shalt  }
0x58: {  	_ =	shalt  }
0x59: {  	_ =	shalt  }
0x5a: {  	_ =	shalt  }
0x5b: {  	_ =	shalt  }
0x5c: {  	_ =	shalt  }
0x5d: {  	_ =	shalt  }
0x5e: {  	_ =	shalt  }
0x5f: {  	_ =	shalt  }
0x60: {  	_ =	shalt  }
0x61: {  	_ =	shalt  }
0x62: {  	_ =	shalt  }
0x63: {  	_ =	shalt  }
0x64: {  	_ =	shalt  }
0x65: {  	_ =	shalt  }
0x66: {  	_ =	shalt  }
0x67: {  	_ =	shalt  }
0x68: {  	_ =	shalt  }
0x69: {  	_ =	shalt  }
0x6a: {  	_ =	shalt  }
0x6b: {  	_ =	shalt  }
0x6c: {  	_ =	shalt  }
0x6d: {  	_ =	shalt  }
0x6e: {  	_ =	shalt  }
0x6f: {  	_ =	shalt  }
0x70: {  	_ =	shalt  }
0x71: {  	_ =	shalt  }
0x72: {  	_ =	shalt  }
0x73: {  	_ =	shalt  }
0x74: {  	_ =	shalt  }
0x75: {  	_ =	shalt  }
0x76: {  	_ =	shalt  }
0x77: {  	_ =	shalt  }
0x78: {  	_ =	shalt  }
0x79: {  	_ =	shalt  }
0x7a: {  	_ =	shalt  }
0x7b: {  	_ =	shalt  }
0x7c: {  	_ =	shalt  }
0x7d: {  	_ =	shalt  }
0x7e: {  	_ =	shalt  }
0x7f: {  	_ =	shalt  }
0x80: {  	_ =	shalt  }
0x81: {  	_ =	shalt  }
0x82: {  	_ =	shalt  }
0x83: {  	_ =	shalt  }
0x84: {  	_ =	shalt  }
0x85: {  	_ =	shalt  }
0x86: {  	_ =	shalt  }
0x87: {  	_ =	shalt  }
.Lfunc_end0:
.L_simem_size_0:
called_computation.1_lowered:
.L_overlay_start_0:
0x88: {  	s2 =	sld [smem:$0x3FD9]  }
0x89: {  	s3 =	sld [smem:$0x3FFE];
	_ =	sdelay $0x1  }
0x8a: {  	s1 =	srdreg.scid  }
0x8b: {  	s0 =	sand.u32 $0x1, s1  }
0x8c: {  	s17 =	sshll.u32 s0, $0xA;
	s2 =	sadd.s32 s3, s2  }
0x8d: {  	s2 =	sadd.s32 s2, s17  }
0x8e: {  	[smem:$0x3FC0] =	sst s2  }
0x8f: {  	_ = 	snop  }
0x90: {  	s18 =	sld [smem:$0x3FC9]  }
0x91: {  	s4 =	sld [smem:$0x3FC8]  }
0x92: {  	s5 =	sld [smem:$0x3FC7]  }
0x93: {  	s6 =	sld [smem:$0x3FC6];
	(tm) =	ssettm $0x1  }
0x94: {  	s19 =	sld [smem:$0x3FFB];
	_ =	sdelay $0x3  }
0x95: {  	_ =	strace s19  }
0x96: {  	s2 =	sld [smem:$0x3FFC];
	_ =	sdelay $0x3  }
0x97: {  	_ =	strace s2  }
0x98: {  	s2 =	sld [smem:$0x3FFD];
	_ =	sdelay $0x3  }
0x99: {  	_ =	strace s2  }
0x9a: {  	_ =	strace $0x8FFFFFFF  }
0x9b: {  	s20 =	sld [smem:$0x3FDB];
	_ =	sdelay $0x1  }
0x9c: {  	s7 =	simm.s32 $_scs_section_size  }
0x9d: {  	s8 =	simm.s32 $_size__tile_overlayer_lowered;
	s9 =	simm.s32 $_tile_overlayer_lowered  }
0x9e: {  	s10 =	simm.s32 $0x1BFF;
	s21 =	sshll.u32 s9, $0x1;
	s7 =	sadd.s32 s7, s20  }
0x9f: {  	s22 =	simm.s32 $0x0;
	s8 =	sshll.u32 s8, $0x1;
	s9 =	sadd.s32 s21, s7  }
0xa0: {  	[timem:s22], [sflag:s10] =	dma.local [hbm:s9], s8  }
0xa1: {  	_ =	swait.ge [sflag:s10], s8  }
0xa2: {  	s8 =	ssub.s32 $0x0, s8;
	[sflag:s10] =	ssyncset.done $0x0  }
0xa3: {  	[sflag:s10] =	ssyncadd.s32 s8;
	_ =	sdelay $0x1  }
0xa4: {  	s23 =	simm.s32 $0x1B8B  }
0xa5: {  	_ =	swait.ge [sflag:s23], $0x1  }
0xa6: {  	[sflag:s23] =	ssyncset.done $0x0  }
0xa7: {  	[sflag:s23] =	ssyncadd.s32 $0xFFFFFFFF  }
0xa8: {  	s8 =	sld [smem:$0x0]  }
0xa9: {  	s9 =	sand.u32 $0xFFFFFFFE, s1  }
0xaa: {  	p0 =	sne.s32 s1, s9  }
0xab: {  	s9 =	sshll.u32 @p0 s9, $0xE  }
0xac: {  	s9 =	sadd.s32 @p0 $0x11B8D, s9;
	s10 =	sshll.u32 @p0 s8, $0x11  }
0xad: {  	s9 =	sor.u32 @p0 s10, s9  }
0xae: {  	[sflag:s9] =	ssyncadd.remote.s32 @p0 $0x1;
	_ =	sdelay $0x1  }
0xaf: {  	s9 =	simm.s32 @p0 $0x1B8D  }
0xb0: {  	_ =	swait.eq @p0 [sflag:s9], $0x1  }
0xb1: {  	[sflag:s9] =	ssyncadd.s32 @p0 $0xFFFFFFFF  }
0xb2: {  	s10 =	sshll.u32 @!p0 s1, $0xE  }
0xb3: {  	s10 =	sor.u32 @!p0 $0x4000, s10;
	s9 =	simm.s32 @!p0 $0x1B8D  }
0xb4: {  	s8 =	sshll.u32 @!p0 s8, $0x11;
	s10 =	sadd.s32 @!p0 $0x11B8D, s10;
	_ =	swait.eq @!p0 [sflag:s9], $0x1  }
0xb5: {  	s8 =	sor.u32 @!p0 s8, s10;
	[sflag:s9] =	ssyncadd.s32 @!p0 $0xFFFFFFFF  }
0xb6: {  	s25 =	simm.s32 $0x1B8E;
	s24 =	sld [smem:$0x3FFE];
	[sflag:s8] =	ssyncadd.remote.s32 @!p0 $0x1  }
0xb7: {  	s26 =	simm.s32 $execute0_lowered;
	[smem:$0x3FD2] =	sst s25  }
0xb8: {  	s9 =	sshll.u32 s26, $0x1;
	_ =	strace $0x80000049;
	[dreg:$0x1] =	wrdreg $0xFFFFFFFF  }
0xb9: {  	s28 =	simm.s32 $_size_execute0_lowered;
	s7 =	sadd.s32 s7, s9;
	[dreg:$0x0] =	wrdreg $0x0  }
0xba: {  	s9 =	sshll.u32 s28, $0x1;
	[dreg:$0x2] =	wrdreg s7  }
0xbb: {  	[dreg:$0x3] =	wrdreg s9  }
0xbc: {  	[dreg:$0x4] =	wrdreg $0xC0  }
0xbd: {  	_ =	task [dreg:s22], $0x5FFFF  }
0xbe: {  	[dreg:$0x1] =	wrdreg $0xFFFFFFFF  }
0xbf: {  	[dreg:$0x0] =	wrdreg $0x60  }
0xc0: {  	[dreg:$0x2] =	wrdreg s18  }
0xc1: {  	[dreg:$0x3] =	wrdreg s4  }
0xc2: {  	[dreg:$0x4] =	wrdreg s5  }
0xc3: {  	[dreg:$0x5] =	wrdreg s6  }
0xc4: {  	[dreg:$0x6] =	wrdreg s24  }
0xc5: {  	[dreg:$0x7] =	wrdreg $0xA  }
0xc6: {  	_ =	task.clear_ibuf [dreg:s22], $0x8FFFF;
	_ =	strace $0x90000049  }
0xc7: {  	s29 =	simm.s32 $0xA;
	_ =	strace $0x8000004B  }
0xc8: {  	_ =	swait.ge [sflag:s29], $0x1  }
0xc9: {  	[sflag:s29] =	ssyncadd.s32 $0xFFFFFFFF  }
0xca: {  	_ =	strace $0x9000004B  }
0xcb: {  	_ =	sfence  }
0xcc: {  	s30 =	sld [smem:$0x0];
	_ =	sdelay $0x2  }
0xcd: {  	s31 =	sshll.u32 s1, $0xD;
	s1 =	sshrl.u32 s1, $0x2  }
0xce: {  	s4 =	sand.u32 $0x4000, s31;
	s1 =	sadd.s32 s1, s30  }
0xcf: {  	s0 =	sor.u32 s4, s0;
	s1 =	sshll.u32 s1, $0x11  }
0xd0: {  	s0 =	sor.u32 s1, s0  }
0xd1: {  	s0 =	sadd.s32 $0x8F2B, s0  }
0xd2: {  	[sflag:s0] =	ssyncadd.remote.s32 $0x1  }
0xd3: {  	_ =	sfence.sel $0xFFFF  }
0xd4: {  	[dreg:$0x0] =	wrdreg $0xFFFFFFFF;
	(pc) =	sbr.abs _section_cstart, $3  }
0xd5: {  	[dreg:$0x1] =	wrdreg $0xFFFFFFFF  }
0xd6: {  	_ =	task.clear_ibuf [dreg:s22], $0x2FFFF;
	_ =	strace $0x9FFFFFFF  }
0xd7: {  	(tm) =	ssettm $0x7FFFFFFF  }
tec
execute0_lowered:
.L_overlay_start_1:
0x0: {  	(tag) =	ssettag $0x1  }
0x1: {  	s5 =	rddreg [dreg:$0x0]  }
0x2: {  	s6 =	rddreg [dreg:$0x1]  }
0x3: {  	s2 =	srdreg.scid;
	s0 =	stileid.u32  }
0x4: {  	s1 =	rddreg [dreg:$0x2];
	s15 =	sand.u32 $0x1, s2;
	s31 =	sshll.u32 s0, $0x1  }
0x5: {  	s3 =	rddreg [dreg:$0x3];
	s14 =	sor.u32 s15, s31  }
0x6: {  	s13 =	rddreg [dreg:$0x4];
	s4 =	simm.s32 $0x0;
	s7 =	sshll.u32 s14, $0x4  }
0x7: {  	[smem:$0x7FF] =	sst s4;
	s7 =	sor.u32 $0x600, s7  }
0x8: {  	s2 =	rddreg [dreg:$0x5];
	_ =	strace $0x8000004A;
	s5 =	sadd.s32 s5, s7  }
0x9: {  	[tilespmem:s4], [sflag:$0x5] =	stream.linear.gather [hbm4b:s5+s4], $0x80, $0x38;
	[tilespmem:$0x8100] =	vst v63  }
0xa: {  	s8 =	simm.s32 $0x5;
	s6 =	sadd.s32 s6, s7;
	s7 =	simm.s32 $0x80  }
0xb: {  	[tilespmem:s7], [sflag:$0x6] =	stream.linear.gather [hbm4b:s6+s4], $0x80, $0x38;
	[tilespmem:$0x8100] =	vst v63  }
0xc: {  	_ =	swait.ge [sflag:s8], $0x80  }
0xd: {  	[sflag:s8] =	ssyncset.done $0x0  }
0xe: {  	s9 =	simm.s32 $0x6;
	[sflag:s8] =	ssyncadd.s32 $0xFFFFFF80  }
0xf: {  	_ =	swait.ge [sflag:s9], $0x80  }
0x10: {  	[sflag:s9] =	ssyncset.done $0x0  }
0x11: {  	s10 =	simm.s32 $0x100;
	[sflag:s9] =	ssyncadd.s32 $0xFFFFFF80  }
0x12: {  	[tilespmem:s10], [sflag:$0x1] =	stream.indirect.gather [hbm4b:s1+s7], $0x80, s4, s7, $0xb8;
	[tilespmem:$0x8100] =	vst v63  }
0x13: {  	s11 =	simm.s32 $0x4100;
	s12 =	simm.s32 $0x1  }
0x14: {  	[tilespmem:s11], [sflag:$0x2] =	stream.indirect.gather [hbm4b:s3+s7], $0x80, s7, s7, $0xb8;
	[tilespmem:$0x8100] =	vst v63  }
0x15: {  	s17 =	ssub.s32 $0x2, s15;
	s14 =	sshll.u32 s14, $0xB;
	_ =	swait.ge [sflag:s12], $0x4000  }
0x16: {  	s18 =	sshrl.u32 s17, $0x1;
	s16 =	sadd.s32 s14, s13;
	[sflag:s12] =	ssyncset.done $0x0  }
0x17: {  	s14 =	simm.s32 $0x2;
	s13 =	sadd.s32 $0x61600, s16;
	[sflag:s12] =	ssyncadd.s32 $0xFFFFC000  }
0x18: {  	[hbm4b:s13+s4] =	stream.linear.scatter [tilespmem:s10], [sflag:$0x3], $0x4000, $0x38;
	[tilespmem:$0x8100] =	vst v63  }
0x19: {  	s17 =	ssub.s32 s17, s18;
	_ =	swait.ge [sflag:s14], $0x4000  }
0x1a: {  	s15 =	sadd.s32 $0x71600, s16;
	s18 =	smax.u32 s17, $0x1;
	[sflag:s14] =	ssyncset.done $0x0  }
0x1b: {  	s16 =	simm.s32 $0x3;
	p0 =	sne.s32 s18, $0x1;
	[sflag:s14] =	ssyncadd.s32 $0xFFFFC000  }
0x1c: {  	[hbm4b:s15+s4] =	stream.linear.scatter [tilespmem:s11], [sflag:$0x4], $0x4000, $0x38;
	[tilespmem:$0x8100] =	vst v63  }
.Ltmp0:
0x1d: {  	_ =	swait.ge [sflag:s16], $0x4000;
	(pc) =	sbr.rel @!p0 .LBB2_2-.Ltmp0, $4  }
0x1e: {  	[sflag:s16] =	ssyncset.done $0x0  }
0x1f: {  	s17 =	simm.s32 $0x4;
	[sflag:s16] =	ssyncadd.s32 $0xFFFFC000  }
0x20: {  	_ =	swait.ge [sflag:s17], $0x4000  }
0x21: {  	s18 =	sadd.s32 $0xFFFFFFFF, s18;
	[sflag:s17] =	ssyncset.done $0x0  }
.LBB2_1:
0x22: {  	p0 =	sne.s32 s18, $0x1;
	s18 =	sadd.s32 $0xFFFFFFFF, s18;
	[sflag:s17] =	ssyncadd.s32 $0xFFFFC000  }
0x23: {  	[tilespmem:s4], [sflag:$0x5] =	stream.linear.gather [hbm4b:s5+s4], $0x80, $0x38;
	[tilespmem:$0x8100] =	vst v63  }
0x24: {  	_ = 	snop  }
0x25: {  	[tilespmem:s7], [sflag:$0x6] =	stream.linear.gather [hbm4b:s6+s4], $0x80, $0x38;
	[tilespmem:$0x8100] =	vst v63  }
0x26: {  	_ =	swait.ge [sflag:s8], $0x80  }
0x27: {  	[sflag:s8] =	ssyncset.done $0x0  }
0x28: {  	[sflag:s8] =	ssyncadd.s32 $0xFFFFFF80  }
0x29: {  	_ =	swait.ge [sflag:s9], $0x80  }
0x2a: {  	[sflag:s9] =	ssyncset.done $0x0  }
0x2b: {  	[sflag:s9] =	ssyncadd.s32 $0xFFFFFF80  }
0x2c: {  	[tilespmem:s10], [sflag:$0x1] =	stream.indirect.gather [hbm4b:s1+s7], $0x80, s4, s7, $0xb8;
	[tilespmem:$0x8100] =	vst v63  }
0x2d: {  	_ = 	snop  }
0x2e: {  	[tilespmem:s11], [sflag:$0x2] =	stream.indirect.gather [hbm4b:s3+s7], $0x80, s7, s7, $0xb8;
	[tilespmem:$0x8100] =	vst v63  }
0x2f: {  	_ =	swait.ge [sflag:s12], $0x4000  }
0x30: {  	[sflag:s12] =	ssyncset.done $0x0  }
0x31: {  	[sflag:s12] =	ssyncadd.s32 $0xFFFFC000  }
0x32: {  	[hbm4b:s13+s4] =	stream.linear.scatter [tilespmem:s10], [sflag:$0x3], $0x4000, $0x38;
	[tilespmem:$0x8100] =	vst v63  }
0x33: {  	_ =	swait.ge [sflag:s14], $0x4000  }
0x34: {  	[sflag:s14] =	ssyncset.done $0x0  }
0x35: {  	[sflag:s14] =	ssyncadd.s32 $0xFFFFC000  }
0x36: {  	[hbm4b:s15+s4] =	stream.linear.scatter [tilespmem:s11], [sflag:$0x4], $0x4000, $0x38;
	[tilespmem:$0x8100] =	vst v63  }
.Ltmp1:
0x37: {  	_ =	swait.ge [sflag:s16], $0x4000;
	(pc) =	sbr.rel @p0 .LBB2_1-.Ltmp1, $4  }
0x38: {  	[sflag:s16] =	ssyncset.done $0x0  }
0x39: {  	[sflag:s16] =	ssyncadd.s32 $0xFFFFC000  }
0x3a: {  	_ =	swait.ge [sflag:s17], $0x4000  }
0x3b: {  	[sflag:s17] =	ssyncset.done $0x0  }
.LBB2_2:
0x3c: {  	[sflag:s17] =	ssyncadd.s32 $0xFFFFC000  }
0x3d: {  	_ =	sfence.sel $0x180000  }
0x3e: {  	[bflag:$0x0] =	sbarrier.arrive $0xFFFF  }
0x3f: {  	p0 =	sne.s32 s0, $0x0;
	_ =	strace $0x9000004A  }
0x40: {  	s0 =	sadd.s32 @!p0 $0x100000, s2;
	[bflag:$0x2] =	sbarrier.arrive $0xFFFF  }
0x41: {  	[sflag:s0] =	ssyncadd.tile.s32 @!p0 $0x1;
	_ =	shalt  }
.Lfunc_end2:
_tile_overlayer_lowered:
.L_overlay_start_2:
0x42: {  	(tag) =	ssettag $0x2  }
0x43: {  	s0 =	rddreg [dreg:$0x0];
	s2 =	stileid.u32  }
0x44: {  	s1 =	rddreg [dreg:$0x1];
	p0 =	sne.s32 s2, $0x0  }
0x45: {  	s3 =	rddreg [dreg:$0x2];
	[bflag:$0x3] =	sbarrier.arrive $0xFFFF;
	s2 =	simm.s32 @!p0 $0x1C07  }
0x46: {  	[timem:s3], [sflag:s2] =	dma.local @!p0 [hbm:s0], s1  }
0x47: {  	s0 =	simm.s32 @!p0 $0x7  }
0x48: {  	_ =	swait.ge @!p0 [sflag:s0], s1  }
0x49: {  	s1 =	ssub.s32 @!p0 $0x0, s1;
	[sflag:s0] =	ssyncset.done @!p0 $0x0  }
0x4a: {  	[sflag:s0] =	ssyncadd.s32 @!p0 s1  }
0x4b: {  	[bflag:$0x3] =	sbarrier.arrive $0xFFFF  }
0x4c: {  	_ =	shalt  }

</sc_bundles>
